<compile_context>
chip_gen: v7x
topology: tpu7x:2x2x1
jax: 0.10.2.dev20260603
libtpu: 0.0.44.dev20260713+nightly
codegen_flags: <defaults>
</compile_context>

<pallas_src>
import functools

import jax
import jax.numpy as jnp
from jax import lax
from jax.experimental import pallas as pl
from jax.experimental.pallas import tpu as pltpu
from jax.experimental.pallas import tpu_sc as plsc

DMODEL = 64
SCALE = 8.0

NC = 2
NS = 16
NW = NC * NS

VB = 8192
RING = 4
AHEAD = 2


def _tc_prep(tT, V):
    H = ((V // 2 + VB - 1) // VB) * VB
    nblk = H // VB
    vblk = V // VB

    def body(a_ref, b_ref, o_ref):
        n2 = 2 * DMODEL
        row = lax.broadcasted_iota(jnp.int32, (n2, n2), 0)
        col = lax.broadcasted_iota(jnp.int32, (n2, n2), 1)
        eye8 = jnp.where(row == col, SCALE, 0.0).astype(jnp.float32)
        g = jnp.concatenate([a_ref[...], b_ref[...]], axis=0)
        dn = (((0,), (0,)), ((), ()))
        half = VB // 2
        o_ref[:half] = lax.dot_general(
            g[:, :half], eye8, dn, preferred_element_type=jnp.float32)
        o_ref[half:] = lax.dot_general(
            g[:, half:], eye8, dn, preferred_element_type=jnp.float32)

    return pl.pallas_call(
        body,
        grid=(nblk,),
        in_specs=[
            pl.BlockSpec((DMODEL, VB), lambda i: (0, i)),
            pl.BlockSpec((DMODEL, VB),
                         lambda i, _n=nblk, _m=vblk: (0, jnp.minimum(i + _n, _m))),
        ],
        out_specs=pl.BlockSpec((VB, 2 * DMODEL), lambda i: (i, 0)),
        out_shape=jax.ShapeDtypeStruct((H, 2 * DMODEL), jnp.float32),
    )(tT, tT), H


def _make_lookup(S, T, H):
    sw = S // NW
    mesh = plsc.VectorSubcoreMesh(core_axis_name="c", subcore_axis_name="s")
    buf_t = pltpu.VMEM((sw, DMODEL), jnp.float32)

    @functools.partial(
        pl.kernel,
        mesh=mesh,
        compiler_params=pltpu.CompilerParams(use_tc_tiling_on_sc=False),
        out_type=jax.ShapeDtypeStruct((S, T, 2 * DMODEL), jnp.float32),
        scratch_types=[
            pltpu.VMEM((T, sw), jnp.int32),
            buf_t, buf_t, buf_t, buf_t,
            pltpu.SemaphoreType.DMA, pltpu.SemaphoreType.DMA,
            pltpu.SemaphoreType.DMA, pltpu.SemaphoreType.DMA,
            pltpu.SemaphoreType.DMA, pltpu.SemaphoreType.DMA,
            pltpu.SemaphoreType.DMA, pltpu.SemaphoreType.DMA,
        ],
    )
    def lookup(idx_hbm, z_hbm, out_hbm, idx_v,
               buf0, buf1, buf2, buf3,
               g0, g1, g2, g3, s0, s1, s2, s3):
        bufs = (buf0, buf1, buf2, buf3)
        gsems = (g0, g1, g2, g3)
        ssems = (s0, s1, s2, s3)
        wid = lax.axis_index("s") * NC + lax.axis_index("c")
        base = wid * sw
        pltpu.sync_copy(idx_hbm.at[:, pl.ds(base, sw)], idx_v)

        def xform(i, c):
            for j in range(sw // 16):
                sl = pl.ds(j * 16, 16)
                v = idx_v[i, sl]
                v2 = v + v
                idx_v[i, sl] = jnp.where(v >= H, v2 - (2 * H - 1), v2)
            return c

        lax.fori_loop(0, T, xform, 0)

        def fire_gather(t, b):
            pltpu.make_async_copy(
                z_hbm.at[idx_v.at[t]], bufs[b], gsems[b]).start()

        def wait_gather(t, b):
            pltpu.make_async_copy(
                z_hbm.at[idx_v.at[t]], bufs[b], gsems[b]).wait()

        def fire_scatter(t, b):
            pltpu.make_async_copy(
                bufs[b], out_hbm.at[pl.ds(base, sw), t, pl.ds(0, DMODEL)],
                ssems[b]).start()

        def wait_scatter(t, b):
            pltpu.make_async_copy(
                bufs[b], out_hbm.at[pl.ds(base, sw), t, pl.ds(0, DMODEL)],
                ssems[b]).wait()

        for t0 in range(AHEAD):
            fire_gather(t0, t0)

        def outer(s_, carry):
            for j in range(RING):
                t = s_ * RING + j
                ja = (j + AHEAD) % RING

                @pl.when(t + AHEAD - RING >= 0)
                def _():
                    wait_scatter(t + AHEAD - RING, ja)

                @pl.when(t + AHEAD < T)
                def _():
                    fire_gather(t + AHEAD, ja)

                wait_gather(t, j)
                fire_scatter(t, j)
            return carry

        lax.fori_loop(0, T // RING, outer, 0)

        for t in range(T - AHEAD, T):
            wait_scatter(t, t % RING)

    return lookup


def kernel(input_sentence, table):
    S, T = input_sentence.shape
    V = table.shape[0]
    y, H = _tc_prep(table.T, V)
    z = y.reshape(2 * H, DMODEL)
    idxT = input_sentence.T
    out_pad = _make_lookup(S, T, H)(idxT, z)
    return out_pad[:, :, :DMODEL]

# --- scband reference (transcript-rebuilt; emitter-appended) ---
"""Pipeline reference for scband-input-embedding-7902739825007 (READ-ONLY COPY).

The authoritative reference and input builder live on the scoring server;
editing this copy changes nothing except your own understanding.
"""

import jax, jax.numpy as jnp
import numpy as np
import math

VOCAB = 1000000
DMODEL = 64

def setup_inputs(seed: int = 0) -> dict:
    key = jax.random.key(seed)
    k1, k2 = jax.random.split(key)
    input_sentence = jax.random.randint(k1, (4096, 200), 0, VOCAB, dtype=jnp.int64 if jax.config.jax_enable_x64 else jnp.int32)
    table = jax.random.normal(k2, (VOCAB, DMODEL), dtype=jnp.float32)
    return {"input_sentence": input_sentence, "table": table}

def reference(input_sentence, table):
    # embedding lookup (gather) followed by sqrt(dmodel) scaling
    emb = jnp.take(table, input_sentence, axis=0)
    return emb * math.sqrt(DMODEL)

if __name__ == "__main__":
    import jax
    _d = setup_inputs()
    print(jax.jit(kernel)(*tuple(_d.values())))

</pallas_src>

<mosaic_0001>
#map = affine_map<(d0, d1) -> (0, 0)>
#map1 = affine_map<(d0, d1) -> (0, 0, 0)>
module attributes {stable_mosaic.version = 14 : i64} {
  func.func @lookup(%arg0: i32, %arg1: i32, %arg2: memref<200x4096xi32, #tpu.memory_space<hbm>>, %arg3: memref<1015808x64xf32, #tpu.memory_space<hbm>>, %arg4: memref<4096x200x128xf32, #tpu.memory_space<hbm>>, %arg5: memref<200x128xi32, #tpu.memory_space<vmem>>, %arg6: memref<128x64xf32, #tpu.memory_space<vmem>>, %arg7: memref<128x64xf32, #tpu.memory_space<vmem>>, %arg8: memref<128x64xf32, #tpu.memory_space<vmem>>, %arg9: memref<128x64xf32, #tpu.memory_space<vmem>>, %arg10: memref<!tpu.dma_semaphore, #tpu.memory_space<semaphore_mem>>, %arg11: memref<!tpu.dma_semaphore, #tpu.memory_space<semaphore_mem>>, %arg12: memref<!tpu.dma_semaphore, #tpu.memory_space<semaphore_mem>>, %arg13: memref<!tpu.dma_semaphore, #tpu.memory_space<semaphore_mem>>, %arg14: memref<!tpu.dma_semaphore, #tpu.memory_space<semaphore_mem>>, %arg15: memref<!tpu.dma_semaphore, #tpu.memory_space<semaphore_mem>>, %arg16: memref<!tpu.dma_semaphore, #tpu.memory_space<semaphore_mem>>, %arg17: memref<!tpu.dma_semaphore, #tpu.memory_space<semaphore_mem>>) attributes {dimension_semantics = [#tpu.dimension_semantics<core_parallel>, #tpu.dimension_semantics<subcore_parallel>], iteration_bounds = array<i64: 2, 16>, scalar_prefetch = 0 : i64, scratch_operands = 13 : i64, tpu.core_type = #tpu.core_type<sc_vector_subcore>, window_params = [{transform_indices = #map}, {transform_indices = #map}, {transform_indices = #map1}]} {
    %mul3A = arith.constant 2 : i32
    %mul3A_0 = arith.muli %arg1, %mul3A : i32
    %add3A = arith.addi %mul3A_0, %arg0 : i32
    %mul3A_1 = arith.constant 128 : i32
    %mul3A_2 = arith.muli %add3A, %mul3A_1 : i32
    "tpu.region"() ({
      %run_scoped3A = tpu.sem_alloc : memref<!tpu.dma_semaphore, #tpu.memory_space<semaphore_mem>>
      %dma_start3A_40 = arith.constant 0 : i32
      %dma_start3A_41 = tpu.memref_slice %arg2[%dma_start3A_40, %mul3A_2] : memref<200x4096xi32, #tpu.memory_space<hbm>> -> memref<200x128xi32, #tpu.memory_space<hbm>>
      %dma_start3A_42 = arith.constant 0 : i32
      %dma_start3A_43 = tpu.memref_slice %arg2[%dma_start3A_42, %mul3A_2] : memref<200x4096xi32, #tpu.memory_space<hbm>> -> memref<200x128xi32, #tpu.memory_space<hbm>>
      tpu.enqueue_dma source(%dma_start3A_43 : memref<200x128xi32, #tpu.memory_space<hbm>>) target(%arg5 : memref<200x128xi32, #tpu.memory_space<vmem>>) target_semaphore(%run_scoped3A : memref<!tpu.dma_semaphore, #tpu.memory_space<semaphore_mem>>)
      %dma_wait3A_44 = arith.constant 0 : i32
      %dma_wait3A_45 = tpu.memref_slice %arg2[%dma_wait3A_44, %mul3A_2] : memref<200x4096xi32, #tpu.memory_space<hbm>> -> memref<200x128xi32, #tpu.memory_space<hbm>>
      %dma_wait3A_46 = arith.constant 0 : i32
      %dma_wait3A_47 = tpu.memref_slice %arg2[%dma_wait3A_46, %mul3A_2] : memref<200x4096xi32, #tpu.memory_space<hbm>> -> memref<200x128xi32, #tpu.memory_space<hbm>>
      tpu.wait_dma2 semaphore(%run_scoped3A : memref<!tpu.dma_semaphore, #tpu.memory_space<semaphore_mem>>) src(%dma_wait3A_47 : memref<200x128xi32, #tpu.memory_space<hbm>>) dst(%arg5 : memref<200x128xi32, #tpu.memory_space<vmem>>)
      tpu.yield
    }) : () -> ()
    %scan3A = arith.constant 0 : i32
    %scan3A_3 = arith.constant 0 : i32
    %scan3A_4 = arith.constant 200 : i32
    %scan3A_5 = arith.addi %scan3A_3, %scan3A_4 : i32
    %scan3A_6 = arith.constant 1 : i32
    scf.for %scan3A_40 = %scan3A_3 to %scan3A_5 step %scan3A_6  : i32 {
      %get3A = arith.index_cast %scan3A_40 : i32 to index
      %get3A_41 = arith.constant 0 : index
      %get3A_42 = tpu.vector_load %arg5[%get3A, %get3A_41] {strides = array<i32>} : memref<200x128xi32, #tpu.memory_space<vmem>>, vector<1x16xi32>,
      %get3A_43 = vector.shape_cast %get3A_42 : vector<1x16xi32> to vector<16xi32>
      %add3A_44 = arith.addi %get3A_43, %get3A_43 : vector<16xi32>
      %ge3A = arith.constant 507904 : i32
      %ge3A_45 = vector.broadcast %ge3A : i32 to vector<16xi32>
      %ge3A_46 = arith.cmpi sge, %get3A_43, %ge3A_45 : vector<16xi32>
      %sub3A = arith.constant 1015807 : i32
      %sub3A_47 = vector.broadcast %sub3A : i32 to vector<16xi32>
      %sub3A_48 = arith.subi %add3A_44, %sub3A_47 : vector<16xi32>
      %select_n3A = arith.select %ge3A_46, %sub3A_48, %add3A_44 : vector<16xi1>, vector<16xi32>
      %swap3A = arith.index_cast %scan3A_40 : i32 to index
      %swap3A_49 = arith.constant 0 : index
      %swap3A_50 = tpu.vector_load %arg5[%swap3A, %swap3A_49] {strides = array<i32>} : memref<200x128xi32, #tpu.memory_space<vmem>>, vector<1x16xi32>,
      %swap3A_51 = vector.shape_cast %swap3A_50 : vector<1x16xi32> to vector<16xi32>
      %swap3A_52 = vector.shape_cast %select_n3A : vector<16xi32> to vector<1x16xi32>
      tpu.vector_store %arg5[%swap3A, %swap3A_49], %swap3A_52 {strides = array<i32>} : memref<200x128xi32, #tpu.memory_space<vmem>>, vector<1x16xi32>,
      %get3A_53 = arith.index_cast %scan3A_40 : i32 to index
      %get3A_54 = arith.constant 16 : index
      %get3A_55 = tpu.vector_load %arg5[%get3A_53, %get3A_54] {strides = array<i32>} : memref<200x128xi32, #tpu.memory_space<vmem>>, vector<1x16xi32>,
      %get3A_56 = vector.shape_cast %get3A_55 : vector<1x16xi32> to vector<16xi32>
      %add3A_57 = arith.addi %get3A_56, %get3A_56 : vector<16xi32>
      %ge3A_58 = arith.constant 507904 : i32
      %ge3A_59 = vector.broadcast %ge3A_58 : i32 to vector<16xi32>
      %ge3A_60 = arith.cmpi sge, %get3A_56, %ge3A_59 : vector<16xi32>
      %sub3A_61 = arith.constant 1015807 : i32
      %sub3A_62 = vector.broadcast %sub3A_61 : i32 to vector<16xi32>
      %sub3A_63 = arith.subi %add3A_57, %sub3A_62 : vector<16xi32>
      %select_n3A_64 = arith.select %ge3A_60, %sub3A_63, %add3A_57 : vector<16xi1>, vector<16xi32>
      %swap3A_65 = arith.index_cast %scan3A_40 : i32 to index
      %swap3A_66 = arith.constant 16 : index
      %swap3A_67 = tpu.vector_load %arg5[%swap3A_65, %swap3A_66] {strides = array<i32>} : memref<200x128xi32, #tpu.memory_space<vmem>>, vector<1x16xi32>,
      %swap3A_68 = vector.shape_cast %swap3A_67 : vector<1x16xi32> to vector<16xi32>
      %swap3A_69 = vector.shape_cast %select_n3A_64 : vector<16xi32> to vector<1x16xi32>
      tpu.vector_store %arg5[%swap3A_65, %swap3A_66], %swap3A_69 {strides = array<i32>} : memref<200x128xi32, #tpu.memory_space<vmem>>, vector<1x16xi32>,
      %get3A_70 = arith.index_cast %scan3A_40 : i32 to index
      %get3A_71 = arith.constant 32 : index
      %get3A_72 = tpu.vector_load %arg5[%get3A_70, %get3A_71] {strides = array<i32>} : memref<200x128xi32, #tpu.memory_space<vmem>>, vector<1x16xi32>,
      %get3A_73 = vector.shape_cast %get3A_72 : vector<1x16xi32> to vector<16xi32>
      %add3A_74 = arith.addi %get3A_73, %get3A_73 : vector<16xi32>
      %ge3A_75 = arith.constant 507904 : i32
      %ge3A_76 = vector.broadcast %ge3A_75 : i32 to vector<16xi32>
      %ge3A_77 = arith.cmpi sge, %get3A_73, %ge3A_76 : vector<16xi32>
      %sub3A_78 = arith.constant 1015807 : i32
      %sub3A_79 = vector.broadcast %sub3A_78 : i32 to vector<16xi32>
      %sub3A_80 = arith.subi %add3A_74, %sub3A_79 : vector<16xi32>
      %select_n3A_81 = arith.select %ge3A_77, %sub3A_80, %add3A_74 : vector<16xi1>, vector<16xi32>
      %swap3A_82 = arith.index_cast %scan3A_40 : i32 to index
      %swap3A_83 = arith.constant 32 : index
      %swap3A_84 = tpu.vector_load %arg5[%swap3A_82, %swap3A_83] {strides = array<i32>} : memref<200x128xi32, #tpu.memory_space<vmem>>, vector<1x16xi32>,
      %swap3A_85 = vector.shape_cast %swap3A_84 : vector<1x16xi32> to vector<16xi32>
      %swap3A_86 = vector.shape_cast %select_n3A_81 : vector<16xi32> to vector<1x16xi32>
      tpu.vector_store %arg5[%swap3A_82, %swap3A_83], %swap3A_86 {strides = array<i32>} : memref<200x128xi32, #tpu.memory_space<vmem>>, vector<1x16xi32>,
      %get3A_87 = arith.index_cast %scan3A_40 : i32 to index
      %get3A_88 = arith.constant 48 : index
      %get3A_89 = tpu.vector_load %arg5[%get3A_87, %get3A_88] {strides = array<i32>} : memref<200x128xi32, #tpu.memory_space<vmem>>, vector<1x16xi32>,
      %get3A_90 = vector.shape_cast %get3A_89 : vector<1x16xi32> to vector<16xi32>
      %add3A_91 = arith.addi %get3A_90, %get3A_90 : vector<16xi32>
      %ge3A_92 = arith.constant 507904 : i32
      %ge3A_93 = vector.broadcast %ge3A_92 : i32 to vector<16xi32>
      %ge3A_94 = arith.cmpi sge, %get3A_90, %ge3A_93 : vector<16xi32>
      %sub3A_95 = arith.constant 1015807 : i32
      %sub3A_96 = vector.broadcast %sub3A_95 : i32 to vector<16xi32>
      %sub3A_97 = arith.subi %add3A_91, %sub3A_96 : vector<16xi32>
      %select_n3A_98 = arith.select %ge3A_94, %sub3A_97, %add3A_91 : vector<16xi1>, vector<16xi32>
      %swap3A_99 = arith.index_cast %scan3A_40 : i32 to index
      %swap3A_100 = arith.constant 48 : index
      %swap3A_101 = tpu.vector_load %arg5[%swap3A_99, %swap3A_100] {strides = array<i32>} : memref<200x128xi32, #tpu.memory_space<vmem>>, vector<1x16xi32>,
      %swap3A_102 = vector.shape_cast %swap3A_101 : vector<1x16xi32> to vector<16xi32>
      %swap3A_103 = vector.shape_cast %select_n3A_98 : vector<16xi32> to vector<1x16xi32>
      tpu.vector_store %arg5[%swap3A_99, %swap3A_100], %swap3A_103 {strides = array<i32>} : memref<200x128xi32, #tpu.memory_space<vmem>>, vector<1x16xi32>,
      %get3A_104 = arith.index_cast %scan3A_40 : i32 to index
      %get3A_105 = arith.constant 64 : index
      %get3A_106 = tpu.vector_load %arg5[%get3A_104, %get3A_105] {strides = array<i32>} : memref<200x128xi32, #tpu.memory_space<vmem>>, vector<1x16xi32>,
      %get3A_107 = vector.shape_cast %get3A_106 : vector<1x16xi32> to vector<16xi32>
      %add3A_108 = arith.addi %get3A_107, %get3A_107 : vector<16xi32>
      %ge3A_109 = arith.constant 507904 : i32
      %ge3A_110 = vector.broadcast %ge3A_109 : i32 to vector<16xi32>
      %ge3A_111 = arith.cmpi sge, %get3A_107, %ge3A_110 : vector<16xi32>
      %sub3A_112 = arith.constant 1015807 : i32
      %sub3A_113 = vector.broadcast %sub3A_112 : i32 to vector<16xi32>
      %sub3A_114 = arith.subi %add3A_108, %sub3A_113 : vector<16xi32>
      %select_n3A_115 = arith.select %ge3A_111, %sub3A_114, %add3A_108 : vector<16xi1>, vector<16xi32>
      %swap3A_116 = arith.index_cast %scan3A_40 : i32 to index
      %swap3A_117 = arith.constant 64 : index
      %swap3A_118 = tpu.vector_load %arg5[%swap3A_116, %swap3A_117] {strides = array<i32>} : memref<200x128xi32, #tpu.memory_space<vmem>>, vector<1x16xi32>,
      %swap3A_119 = vector.shape_cast %swap3A_118 : vector<1x16xi32> to vector<16xi32>
      %swap3A_120 = vector.shape_cast %select_n3A_115 : vector<16xi32> to vector<1x16xi32>
      tpu.vector_store %arg5[%swap3A_116, %swap3A_117], %swap3A_120 {strides = array<i32>} : memref<200x128xi32, #tpu.memory_space<vmem>>, vector<1x16xi32>,
      %get3A_121 = arith.index_cast %scan3A_40 : i32 to index
      %get3A_122 = arith.constant 80 : index
      %get3A_123 = tpu.vector_load %arg5[%get3A_121, %get3A_122] {strides = array<i32>} : memref<200x128xi32, #tpu.memory_space<vmem>>, vector<1x16xi32>,
      %get3A_124 = vector.shape_cast %get3A_123 : vector<1x16xi32> to vector<16xi32>
      %add3A_125 = arith.addi %get3A_124, %get3A_124 : vector<16xi32>
      %ge3A_126 = arith.constant 507904 : i32
      %ge3A_127 = vector.broadcast %ge3A_126 : i32 to vector<16xi32>
      %ge3A_128 = arith.cmpi sge, %get3A_124, %ge3A_127 : vector<16xi32>
      %sub3A_129 = arith.constant 1015807 : i32
      %sub3A_130 = vector.broadcast %sub3A_129 : i32 to vector<16xi32>
      %sub3A_131 = arith.subi %add3A_125, %sub3A_130 : vector<16xi32>
      %select_n3A_132 = arith.select %ge3A_128, %sub3A_131, %add3A_125 : vector<16xi1>, vector<16xi32>
      %swap3A_133 = arith.index_cast %scan3A_40 : i32 to index
      %swap3A_134 = arith.constant 80 : index
      %swap3A_135 = tpu.vector_load %arg5[%swap3A_133, %swap3A_134] {strides = array<i32>} : memref<200x128xi32, #tpu.memory_space<vmem>>, vector<1x16xi32>,
      %swap3A_136 = vector.shape_cast %swap3A_135 : vector<1x16xi32> to vector<16xi32>
      %swap3A_137 = vector.shape_cast %select_n3A_132 : vector<16xi32> to vector<1x16xi32>
      tpu.vector_store %arg5[%swap3A_133, %swap3A_134], %swap3A_137 {strides = array<i32>} : memref<200x128xi32, #tpu.memory_space<vmem>>, vector<1x16xi32>,
      %get3A_138 = arith.index_cast %scan3A_40 : i32 to index
      %get3A_139 = arith.constant 96 : index
      %get3A_140 = tpu.vector_load %arg5[%get3A_138, %get3A_139] {strides = array<i32>} : memref<200x128xi32, #tpu.memory_space<vmem>>, vector<1x16xi32>,
      %get3A_141 = vector.shape_cast %get3A_140 : vector<1x16xi32> to vector<16xi32>
      %add3A_142 = arith.addi %get3A_141, %get3A_141 : vector<16xi32>
      %ge3A_143 = arith.constant 507904 : i32
      %ge3A_144 = vector.broadcast %ge3A_143 : i32 to vector<16xi32>
      %ge3A_145 = arith.cmpi sge, %get3A_141, %ge3A_144 : vector<16xi32>
      %sub3A_146 = arith.constant 1015807 : i32
      %sub3A_147 = vector.broadcast %sub3A_146 : i32 to vector<16xi32>
      %sub3A_148 = arith.subi %add3A_142, %sub3A_147 : vector<16xi32>
      %select_n3A_149 = arith.select %ge3A_145, %sub3A_148, %add3A_142 : vector<16xi1>, vector<16xi32>
      %swap3A_150 = arith.index_cast %scan3A_40 : i32 to index
      %swap3A_151 = arith.constant 96 : index
      %swap3A_152 = tpu.vector_load %arg5[%swap3A_150, %swap3A_151] {strides = array<i32>} : memref<200x128xi32, #tpu.memory_space<vmem>>, vector<1x16xi32>,
      %swap3A_153 = vector.shape_cast %swap3A_152 : vector<1x16xi32> to vector<16xi32>
      %swap3A_154 = vector.shape_cast %select_n3A_149 : vector<16xi32> to vector<1x16xi32>
      tpu.vector_store %arg5[%swap3A_150, %swap3A_151], %swap3A_154 {strides = array<i32>} : memref<200x128xi32, #tpu.memory_space<vmem>>, vector<1x16xi32>,
      %get3A_155 = arith.index_cast %scan3A_40 : i32 to index
      %get3A_156 = arith.constant 112 : index
      %get3A_157 = tpu.vector_load %arg5[%get3A_155, %get3A_156] {strides = array<i32>} : memref<200x128xi32, #tpu.memory_space<vmem>>, vector<1x16xi32>,
      %get3A_158 = vector.shape_cast %get3A_157 : vector<1x16xi32> to vector<16xi32>
      %add3A_159 = arith.addi %get3A_158, %get3A_158 : vector<16xi32>
      %ge3A_160 = arith.constant 507904 : i32
      %ge3A_161 = vector.broadcast %ge3A_160 : i32 to vector<16xi32>
      %ge3A_162 = arith.cmpi sge, %get3A_158, %ge3A_161 : vector<16xi32>
      %sub3A_163 = arith.constant 1015807 : i32
      %sub3A_164 = vector.broadcast %sub3A_163 : i32 to vector<16xi32>
      %sub3A_165 = arith.subi %add3A_159, %sub3A_164 : vector<16xi32>
      %select_n3A_166 = arith.select %ge3A_162, %sub3A_165, %add3A_159 : vector<16xi1>, vector<16xi32>
      %swap3A_167 = arith.index_cast %scan3A_40 : i32 to index
      %swap3A_168 = arith.constant 112 : index
      %swap3A_169 = tpu.vector_load %arg5[%swap3A_167, %swap3A_168] {strides = array<i32>} : memref<200x128xi32, #tpu.memory_space<vmem>>, vector<1x16xi32>,
      %swap3A_170 = vector.shape_cast %swap3A_169 : vector<1x16xi32> to vector<16xi32>
      %swap3A_171 = vector.shape_cast %select_n3A_166 : vector<16xi32> to vector<1x16xi32>
      tpu.vector_store %arg5[%swap3A_167, %swap3A_168], %swap3A_171 {strides = array<i32>} : memref<200x128xi32, #tpu.memory_space<vmem>>, vector<1x16xi32>,
    }
    %scan3A_7 = arith.constant 200 : i32
    %dma_start3A = arith.constant 0 : i32
    %dma_start3A_8 = arith.constant 0 : i32
    %dma_start3A_9 = tpu.memref_slice %arg5[%dma_start3A, %dma_start3A_8] : memref<200x128xi32, #tpu.memory_space<vmem>> -> memref<1x128xi32, #tpu.memory_space<vmem>>
    %dma_start3A_10 = tpu.memref_squeeze %dma_start3A_9 : memref<1x128xi32, #tpu.memory_space<vmem>> -> memref<128xi32, #tpu.memory_space<vmem>>
    %dma_start3A_11 = arith.constant 0 : i32
    %dma_start3A_12 = arith.constant 0 : i32
    %dma_start3A_13 = tpu.memref_slice %arg3[%dma_start3A_11, %dma_start3A_12] : memref<1015808x64xf32, #tpu.memory_space<hbm>> -> memref<1015808x64xf32, #tpu.memory_space<hbm>>
    tpu.enqueue_indirect_dma source(%dma_start3A_13 : memref<1015808x64xf32, #tpu.memory_space<hbm>>) target(%arg6 : memref<128x64xf32, #tpu.memory_space<vmem>>) offsets(%dma_start3A_10 : memref<128xi32, #tpu.memory_space<vmem>>) semaphore(%arg10 : memref<!tpu.dma_semaphore, #tpu.memory_space<semaphore_mem>>)
    %dma_start3A_14 = arith.constant 1 : i32
    %dma_start3A_15 = arith.constant 0 : i32
    %dma_start3A_16 = tpu.memref_slice %arg5[%dma_start3A_14, %dma_start3A_15] : memref<200x128xi32, #tpu.memory_space<vmem>> -> memref<1x128xi32, #tpu.memory_space<vmem>>
    %dma_start3A_17 = tpu.memref_squeeze %dma_start3A_16 : memref<1x128xi32, #tpu.memory_space<vmem>> -> memref<128xi32, #tpu.memory_space<vmem>>
    %dma_start3A_18 = arith.constant 0 : i32
    %dma_start3A_19 = arith.constant 0 : i32
    %dma_start3A_20 = tpu.memref_slice %arg3[%dma_start3A_18, %dma_start3A_19] : memref<1015808x64xf32, #tpu.memory_space<hbm>> -> memref<1015808x64xf32, #tpu.memory_space<hbm>>
    tpu.enqueue_indirect_dma source(%dma_start3A_20 : memref<1015808x64xf32, #tpu.memory_space<hbm>>) target(%arg7 : memref<128x64xf32, #tpu.memory_space<vmem>>) offsets(%dma_start3A_17 : memref<128xi32, #tpu.memory_space<vmem>>) semaphore(%arg11 : memref<!tpu.dma_semaphore, #tpu.memory_space<semaphore_mem>>)
    %scan3A_21 = arith.constant 0 : i32
    %scan3A_22 = arith.constant 0 : i32
    %scan3A_23 = arith.constant 50 : i32
    %scan3A_24 = arith.addi %scan3A_22, %scan3A_23 : i32
    %scan3A_25 = arith.constant 1 : i32
    scf.for %scan3A_40 = %scan3A_22 to %scan3A_24 step %scan3A_25  : i32 {
      %mul3A_41 = arith.constant 4 : i32
      %mul3A_42 = arith.muli %scan3A_40, %mul3A_41 : i32
      %add3A_43 = arith.constant 0 : i32
      %add3A_44 = arith.addi %mul3A_42, %add3A_43 : i32
      %add3A_45 = arith.constant 2 : i32
      %add3A_46 = arith.addi %add3A_44, %add3A_45 : i32
      %sub3A = arith.constant 4 : i32
      %sub3A_47 = arith.subi %add3A_46, %sub3A : i32
      %ge3A = arith.constant 0 : i32
      %ge3A_48 = arith.cmpi sge, %sub3A_47, %ge3A : i32
      %convert_element_type3A = arith.extui %ge3A_48 : i1 to i32
      %cond3A = arith.constant 0 : i32
      %cond3A_49 = arith.cmpi ne, %convert_element_type3A, %cond3A : i32
      scf.if %cond3A_49 {
        %add3A_164 = arith.constant 2 : i32
        %add3A_165 = arith.addi %add3A_44, %add3A_164 : i32
        %sub3A_166 = arith.constant 4 : i32
        %sub3A_167 = arith.subi %add3A_165, %sub3A_166 : i32
        %dma_wait3A_168 = arith.constant 0 : i32
        %dma_wait3A_169 = tpu.memref_slice %arg4[%mul3A_2, %sub3A_167, %dma_wait3A_168] : memref<4096x200x128xf32, #tpu.memory_space<hbm>> -> memref<128x1x64xf32, #tpu.memory_space<hbm>>
        %dma_wait3A_170 = tpu.memref_squeeze %dma_wait3A_169 : memref<128x1x64xf32, #tpu.memory_space<hbm>> -> memref<128x64xf32, #tpu.memory_space<hbm>>
        %dma_wait3A_171 = arith.constant 0 : i32
        %dma_wait3A_172 = tpu.memref_slice %arg4[%mul3A_2, %sub3A_167, %dma_wait3A_171] : memref<4096x200x128xf32, #tpu.memory_space<hbm>> -> memref<128x1x64xf32, #tpu.memory_space<hbm>>
        %dma_wait3A_173 = tpu.memref_squeeze %dma_wait3A_172 : memref<128x1x64xf32, #tpu.memory_space<hbm>> -> memref<128x64xf32, #tpu.memory_space<hbm>>
        tpu.wait_dma2 semaphore(%arg16 : memref<!tpu.dma_semaphore, #tpu.memory_space<semaphore_mem>>) src(%arg8 : memref<128x64xf32, #tpu.memory_space<vmem>>) dst(%dma_wait3A_173 : memref<128x64xf32, #tpu.memory_space<hbm>>)
      } else {
      }
      %add3A_50 = arith.constant 2 : i32
      %add3A_51 = arith.addi %add3A_44, %add3A_50 : i32
      %lt3A = arith.constant 200 : i32
      %lt3A_52 = arith.cmpi slt, %add3A_51, %lt3A : i32
      %convert_element_type3A_53 = arith.extui %lt3A_52 : i1 to i32
      %cond3A_54 = arith.constant 0 : i32
      %cond3A_55 = arith.cmpi ne, %convert_element_type3A_53, %cond3A_54 : i32
      scf.if %cond3A_55 {
        %add3A_164 = arith.constant 2 : i32
        %add3A_165 = arith.addi %add3A_44, %add3A_164 : i32
        %dma_start3A_166 = arith.constant 0 : i32
        %dma_start3A_167 = tpu.memref_slice %arg5[%add3A_165, %dma_start3A_166] : memref<200x128xi32, #tpu.memory_space<vmem>> -> memref<1x128xi32, #tpu.memory_space<vmem>>
        %dma_start3A_168 = tpu.memref_squeeze %dma_start3A_167 : memref<1x128xi32, #tpu.memory_space<vmem>> -> memref<128xi32, #tpu.memory_space<vmem>>
        %dma_start3A_169 = arith.constant 0 : i32
        %dma_start3A_170 = arith.constant 0 : i32
        %dma_start3A_171 = tpu.memref_slice %arg3[%dma_start3A_169, %dma_start3A_170] : memref<1015808x64xf32, #tpu.memory_space<hbm>> -> memref<1015808x64xf32, #tpu.memory_space<hbm>>
        tpu.enqueue_indirect_dma source(%dma_start3A_171 : memref<1015808x64xf32, #tpu.memory_space<hbm>>) target(%arg8 : memref<128x64xf32, #tpu.memory_space<vmem>>) offsets(%dma_start3A_168 : memref<128xi32, #tpu.memory_space<vmem>>) semaphore(%arg12 : memref<!tpu.dma_semaphore, #tpu.memory_space<semaphore_mem>>)
      } else {
      }
      %dma_wait3A_56 = arith.constant 0 : i32
      %dma_wait3A_57 = tpu.memref_slice %arg5[%add3A_44, %dma_wait3A_56] : memref<200x128xi32, #tpu.memory_space<vmem>> -> memref<1x128xi32, #tpu.memory_space<vmem>>
      %dma_wait3A_58 = tpu.memref_squeeze %dma_wait3A_57 : memref<1x128xi32, #tpu.memory_space<vmem>> -> memref<128xi32, #tpu.memory_space<vmem>>
      %dma_wait3A_59 = arith.constant 0 : i32
      %dma_wait3A_60 = arith.constant 0 : i32
      %dma_wait3A_61 = tpu.memref_slice %arg3[%dma_wait3A_59, %dma_wait3A_60] : memref<1015808x64xf32, #tpu.memory_space<hbm>> -> memref<1015808x64xf32, #tpu.memory_space<hbm>>
      tpu.wait_indirect_dma semaphore(%arg10 : memref<!tpu.dma_semaphore, #tpu.memory_space<semaphore_mem>>) src(%dma_wait3A_61 : memref<1015808x64xf32, #tpu.memory_space<hbm>>) dst(%arg6 : memref<128x64xf32, #tpu.memory_space<vmem>>)
      %dma_start3A_62 = arith.constant 0 : i32
      %dma_start3A_63 = tpu.memref_slice %arg4[%mul3A_2, %add3A_44, %dma_start3A_62] : memref<4096x200x128xf32, #tpu.memory_space<hbm>> -> memref<128x1x64xf32, #tpu.memory_space<hbm>>
      %dma_start3A_64 = tpu.memref_squeeze %dma_start3A_63 : memref<128x1x64xf32, #tpu.memory_space<hbm>> -> memref<128x64xf32, #tpu.memory_space<hbm>>
      %dma_start3A_65 = arith.constant 0 : i32
      %dma_start3A_66 = tpu.memref_slice %arg4[%mul3A_2, %add3A_44, %dma_start3A_65] : memref<4096x200x128xf32, #tpu.memory_space<hbm>> -> memref<128x1x64xf32, #tpu.memory_space<hbm>>
      %dma_start3A_67 = tpu.memref_squeeze %dma_start3A_66 : memref<128x1x64xf32, #tpu.memory_space<hbm>> -> memref<128x64xf32, #tpu.memory_space<hbm>>
      tpu.enqueue_dma source(%arg6 : memref<128x64xf32, #tpu.memory_space<vmem>>) target(%dma_start3A_67 : memref<128x64xf32, #tpu.memory_space<hbm>>) target_semaphore(%arg14 : memref<!tpu.dma_semaphore, #tpu.memory_space<semaphore_mem>>)
      %mul3A_68 = arith.constant 4 : i32
      %mul3A_69 = arith.muli %scan3A_40, %mul3A_68 : i32
      %add3A_70 = arith.constant 1 : i32
      %add3A_71 = arith.addi %mul3A_69, %add3A_70 : i32
      %add3A_72 = arith.constant 2 : i32
      %add3A_73 = arith.addi %add3A_71, %add3A_72 : i32
      %sub3A_74 = arith.constant 4 : i32
      %sub3A_75 = arith.subi %add3A_73, %sub3A_74 : i32
      %ge3A_76 = arith.constant 0 : i32
      %ge3A_77 = arith.cmpi sge, %sub3A_75, %ge3A_76 : i32
      %convert_element_type3A_78 = arith.extui %ge3A_77 : i1 to i32
      %cond3A_79 = arith.constant 0 : i32
      %cond3A_80 = arith.cmpi ne, %convert_element_type3A_78, %cond3A_79 : i32
      scf.if %cond3A_80 {
        %add3A_164 = arith.constant 2 : i32
        %add3A_165 = arith.addi %add3A_71, %add3A_164 : i32
        %sub3A_166 = arith.constant 4 : i32
        %sub3A_167 = arith.subi %add3A_165, %sub3A_166 : i32
        %dma_wait3A_168 = arith.constant 0 : i32
        %dma_wait3A_169 = tpu.memref_slice %arg4[%mul3A_2, %sub3A_167, %dma_wait3A_168] : memref<4096x200x128xf32, #tpu.memory_space<hbm>> -> memref<128x1x64xf32, #tpu.memory_space<hbm>>
        %dma_wait3A_170 = tpu.memref_squeeze %dma_wait3A_169 : memref<128x1x64xf32, #tpu.memory_space<hbm>> -> memref<128x64xf32, #tpu.memory_space<hbm>>
        %dma_wait3A_171 = arith.constant 0 : i32
        %dma_wait3A_172 = tpu.memref_slice %arg4[%mul3A_2, %sub3A_167, %dma_wait3A_171] : memref<4096x200x128xf32, #tpu.memory_space<hbm>> -> memref<128x1x64xf32, #tpu.memory_space<hbm>>
        %dma_wait3A_173 = tpu.memref_squeeze %dma_wait3A_172 : memref<128x1x64xf32, #tpu.memory_space<hbm>> -> memref<128x64xf32, #tpu.memory_space<hbm>>
        tpu.wait_dma2 semaphore(%arg17 : memref<!tpu.dma_semaphore, #tpu.memory_space<semaphore_mem>>) src(%arg9 : memref<128x64xf32, #tpu.memory_space<vmem>>) dst(%dma_wait3A_173 : memref<128x64xf32, #tpu.memory_space<hbm>>)
      } else {
      }
      %add3A_81 = arith.constant 2 : i32
      %add3A_82 = arith.addi %add3A_71, %add3A_81 : i32
      %lt3A_83 = arith.constant 200 : i32
      %lt3A_84 = arith.cmpi slt, %add3A_82, %lt3A_83 : i32
      %convert_element_type3A_85 = arith.extui %lt3A_84 : i1 to i32
      %cond3A_86 = arith.constant 0 : i32
      %cond3A_87 = arith.cmpi ne, %convert_element_type3A_85, %cond3A_86 : i32
      scf.if %cond3A_87 {
        %add3A_164 = arith.constant 2 : i32
        %add3A_165 = arith.addi %add3A_71, %add3A_164 : i32
        %dma_start3A_166 = arith.constant 0 : i32
        %dma_start3A_167 = tpu.memref_slice %arg5[%add3A_165, %dma_start3A_166] : memref<200x128xi32, #tpu.memory_space<vmem>> -> memref<1x128xi32, #tpu.memory_space<vmem>>
        %dma_start3A_168 = tpu.memref_squeeze %dma_start3A_167 : memref<1x128xi32, #tpu.memory_space<vmem>> -> memref<128xi32, #tpu.memory_space<vmem>>
        %dma_start3A_169 = arith.constant 0 : i32
        %dma_start3A_170 = arith.constant 0 : i32
        %dma_start3A_171 = tpu.memref_slice %arg3[%dma_start3A_169, %dma_start3A_170] : memref<1015808x64xf32, #tpu.memory_space<hbm>> -> memref<1015808x64xf32, #tpu.memory_space<hbm>>
        tpu.enqueue_indirect_dma source(%dma_start3A_171 : memref<1015808x64xf32, #tpu.memory_space<hbm>>) target(%arg9 : memref<128x64xf32, #tpu.memory_space<vmem>>) offsets(%dma_start3A_168 : memref<128xi32, #tpu.memory_space<vmem>>) semaphore(%arg13 : memref<!tpu.dma_semaphore, #tpu.memory_space<semaphore_mem>>)
      } else {
      }
      %dma_wait3A_88 = arith.constant 0 : i32
      %dma_wait3A_89 = tpu.memref_slice %arg5[%add3A_71, %dma_wait3A_88] : memref<200x128xi32, #tpu.memory_space<vmem>> -> memref<1x128xi32, #tpu.memory_space<vmem>>
      %dma_wait3A_90 = tpu.memref_squeeze %dma_wait3A_89 : memref<1x128xi32, #tpu.memory_space<vmem>> -> memref<128xi32, #tpu.memory_space<vmem>>
      %dma_wait3A_91 = arith.constant 0 : i32
      %dma_wait3A_92 = arith.constant 0 : i32
      %dma_wait3A_93 = tpu.memref_slice %arg3[%dma_wait3A_91, %dma_wait3A_92] : memref<1015808x64xf32, #tpu.memory_space<hbm>> -> memref<1015808x64xf32, #tpu.memory_space<hbm>>
      tpu.wait_indirect_dma semaphore(%arg11 : memref<!tpu.dma_semaphore, #tpu.memory_space<semaphore_mem>>) src(%dma_wait3A_93 : memref<1015808x64xf32, #tpu.memory_space<hbm>>) dst(%arg7 : memref<128x64xf32, #tpu.memory_space<vmem>>)
      %dma_start3A_94 = arith.constant 0 : i32
      %dma_start3A_95 = tpu.memref_slice %arg4[%mul3A_2, %add3A_71, %dma_start3A_94] : memref<4096x200x128xf32, #tpu.memory_space<hbm>> -> memref<128x1x64xf32, #tpu.memory_space<hbm>>
      %dma_start3A_96 = tpu.memref_squeeze %dma_start3A_95 : memref<128x1x64xf32, #tpu.memory_space<hbm>> -> memref<128x64xf32, #tpu.memory_space<hbm>>
      %dma_start3A_97 = arith.constant 0 : i32
      %dma_start3A_98 = tpu.memref_slice %arg4[%mul3A_2, %add3A_71, %dma_start3A_97] : memref<4096x200x128xf32, #tpu.memory_space<hbm>> -> memref<128x1x64xf32, #tpu.memory_space<hbm>>
      %dma_start3A_99 = tpu.memref_squeeze %dma_start3A_98 : memref<128x1x64xf32, #tpu.memory_space<hbm>> -> memref<128x64xf32, #tpu.memory_space<hbm>>
      tpu.enqueue_dma source(%arg7 : memref<128x64xf32, #tpu.memory_space<vmem>>) target(%dma_start3A_99 : memref<128x64xf32, #tpu.memory_space<hbm>>) target_semaphore(%arg15 : memref<!tpu.dma_semaphore, #tpu.memory_space<semaphore_mem>>)
      %mul3A_100 = arith.constant 4 : i32
      %mul3A_101 = arith.muli %scan3A_40, %mul3A_100 : i32
      %add3A_102 = arith.constant 2 : i32
      %add3A_103 = arith.addi %mul3A_101, %add3A_102 : i32
      %add3A_104 = arith.constant 2 : i32
      %add3A_105 = arith.addi %add3A_103, %add3A_104 : i32
      %sub3A_106 = arith.constant 4 : i32
      %sub3A_107 = arith.subi %add3A_105, %sub3A_106 : i32
      %ge3A_108 = arith.constant 0 : i32
      %ge3A_109 = arith.cmpi sge, %sub3A_107, %ge3A_108 : i32
      %convert_element_type3A_110 = arith.extui %ge3A_109 : i1 to i32
      %cond3A_111 = arith.constant 0 : i32
      %cond3A_112 = arith.cmpi ne, %convert_element_type3A_110, %cond3A_111 : i32
      scf.if %cond3A_112 {
        %add3A_164 = arith.constant 2 : i32
        %add3A_165 = arith.addi %add3A_103, %add3A_164 : i32
        %sub3A_166 = arith.constant 4 : i32
        %sub3A_167 = arith.subi %add3A_165, %sub3A_166 : i32
        %dma_wait3A_168 = arith.constant 0 : i32
        %dma_wait3A_169 = tpu.memref_slice %arg4[%mul3A_2, %sub3A_167, %dma_wait3A_168] : memref<4096x200x128xf32, #tpu.memory_space<hbm>> -> memref<128x1x64xf32, #tpu.memory_space<hbm>>
        %dma_wait3A_170 = tpu.memref_squeeze %dma_wait3A_169 : memref<128x1x64xf32, #tpu.memory_space<hbm>> -> memref<128x64xf32, #tpu.memory_space<hbm>>
        %dma_wait3A_171 = arith.constant 0 : i32
        %dma_wait3A_172 = tpu.memref_slice %arg4[%mul3A_2, %sub3A_167, %dma_wait3A_171] : memref<4096x200x128xf32, #tpu.memory_space<hbm>> -> memref<128x1x64xf32, #tpu.memory_space<hbm>>
        %dma_wait3A_173 = tpu.memref_squeeze %dma_wait3A_172 : memref<128x1x64xf32, #tpu.memory_space<hbm>> -> memref<128x64xf32, #tpu.memory_space<hbm>>
        tpu.wait_dma2 semaphore(%arg14 : memref<!tpu.dma_semaphore, #tpu.memory_space<semaphore_mem>>) src(%arg6 : memref<128x64xf32, #tpu.memory_space<vmem>>) dst(%dma_wait3A_173 : memref<128x64xf32, #tpu.memory_space<hbm>>)
      } else {
      }
      %add3A_113 = arith.constant 2 : i32
      %add3A_114 = arith.addi %add3A_103, %add3A_113 : i32
      %lt3A_115 = arith.constant 200 : i32
      %lt3A_116 = arith.cmpi slt, %add3A_114, %lt3A_115 : i32
      %convert_element_type3A_117 = arith.extui %lt3A_116 : i1 to i32
      %cond3A_118 = arith.constant 0 : i32
      %cond3A_119 = arith.cmpi ne, %convert_element_type3A_117, %cond3A_118 : i32
      scf.if %cond3A_119 {
        %add3A_164 = arith.constant 2 : i32
        %add3A_165 = arith.addi %add3A_103, %add3A_164 : i32
        %dma_start3A_166 = arith.constant 0 : i32
        %dma_start3A_167 = tpu.memref_slice %arg5[%add3A_165, %dma_start3A_166] : memref<200x128xi32, #tpu.memory_space<vmem>> -> memref<1x128xi32, #tpu.memory_space<vmem>>
        %dma_start3A_168 = tpu.memref_squeeze %dma_start3A_167 : memref<1x128xi32, #tpu.memory_space<vmem>> -> memref<128xi32, #tpu.memory_space<vmem>>
        %dma_start3A_169 = arith.constant 0 : i32
        %dma_start3A_170 = arith.constant 0 : i32
        %dma_start3A_171 = tpu.memref_slice %arg3[%dma_start3A_169, %dma_start3A_170] : memref<1015808x64xf32, #tpu.memory_space<hbm>> -> memref<1015808x64xf32, #tpu.memory_space<hbm>>
        tpu.enqueue_indirect_dma source(%dma_start3A_171 : memref<1015808x64xf32, #tpu.memory_space<hbm>>) target(%arg6 : memref<128x64xf32, #tpu.memory_space<vmem>>) offsets(%dma_start3A_168 : memref<128xi32, #tpu.memory_space<vmem>>) semaphore(%arg10 : memref<!tpu.dma_semaphore, #tpu.memory_space<semaphore_mem>>)
      } else {
      }
      %dma_wait3A_120 = arith.constant 0 : i32
      %dma_wait3A_121 = tpu.memref_slice %arg5[%add3A_103, %dma_wait3A_120] : memref<200x128xi32, #tpu.memory_space<vmem>> -> memref<1x128xi32, #tpu.memory_space<vmem>>
      %dma_wait3A_122 = tpu.memref_squeeze %dma_wait3A_121 : memref<1x128xi32, #tpu.memory_space<vmem>> -> memref<128xi32, #tpu.memory_space<vmem>>
      %dma_wait3A_123 = arith.constant 0 : i32
      %dma_wait3A_124 = arith.constant 0 : i32
      %dma_wait3A_125 = tpu.memref_slice %arg3[%dma_wait3A_123, %dma_wait3A_124] : memref<1015808x64xf32, #tpu.memory_space<hbm>> -> memref<1015808x64xf32, #tpu.memory_space<hbm>>
      tpu.wait_indirect_dma semaphore(%arg12 : memref<!tpu.dma_semaphore, #tpu.memory_space<semaphore_mem>>) src(%dma_wait3A_125 : memref<1015808x64xf32, #tpu.memory_space<hbm>>) dst(%arg8 : memref<128x64xf32, #tpu.memory_space<vmem>>)
      %dma_start3A_126 = arith.constant 0 : i32
      %dma_start3A_127 = tpu.memref_slice %arg4[%mul3A_2, %add3A_103, %dma_start3A_126] : memref<4096x200x128xf32, #tpu.memory_space<hbm>> -> memref<128x1x64xf32, #tpu.memory_space<hbm>>
      %dma_start3A_128 = tpu.memref_squeeze %dma_start3A_127 : memref<128x1x64xf32, #tpu.memory_space<hbm>> -> memref<128x64xf32, #tpu.memory_space<hbm>>
      %dma_start3A_129 = arith.constant 0 : i32
      %dma_start3A_130 = tpu.memref_slice %arg4[%mul3A_2, %add3A_103, %dma_start3A_129] : memref<4096x200x128xf32, #tpu.memory_space<hbm>> -> memref<128x1x64xf32, #tpu.memory_space<hbm>>
      %dma_start3A_131 = tpu.memref_squeeze %dma_start3A_130 : memref<128x1x64xf32, #tpu.memory_space<hbm>> -> memref<128x64xf32, #tpu.memory_space<hbm>>
      tpu.enqueue_dma source(%arg8 : memref<128x64xf32, #tpu.memory_space<vmem>>) target(%dma_start3A_131 : memref<128x64xf32, #tpu.memory_space<hbm>>) target_semaphore(%arg16 : memref<!tpu.dma_semaphore, #tpu.memory_space<semaphore_mem>>)
      %mul3A_132 = arith.constant 4 : i32
      %mul3A_133 = arith.muli %scan3A_40, %mul3A_132 : i32
      %add3A_134 = arith.constant 3 : i32
      %add3A_135 = arith.addi %mul3A_133, %add3A_134 : i32
      %add3A_136 = arith.constant 2 : i32
      %add3A_137 = arith.addi %add3A_135, %add3A_136 : i32
      %sub3A_138 = arith.constant 4 : i32
      %sub3A_139 = arith.subi %add3A_137, %sub3A_138 : i32
      %ge3A_140 = arith.constant 0 : i32
      %ge3A_141 = arith.cmpi sge, %sub3A_139, %ge3A_140 : i32
      %convert_element_type3A_142 = arith.extui %ge3A_141 : i1 to i32
      %cond3A_143 = arith.constant 0 : i32
      %cond3A_144 = arith.cmpi ne, %convert_element_type3A_142, %cond3A_143 : i32
      scf.if %cond3A_144 {
        %add3A_164 = arith.constant 2 : i32
        %add3A_165 = arith.addi %add3A_135, %add3A_164 : i32
        %sub3A_166 = arith.constant 4 : i32
        %sub3A_167 = arith.subi %add3A_165, %sub3A_166 : i32
        %dma_wait3A_168 = arith.constant 0 : i32
        %dma_wait3A_169 = tpu.memref_slice %arg4[%mul3A_2, %sub3A_167, %dma_wait3A_168] : memref<4096x200x128xf32, #tpu.memory_space<hbm>> -> memref<128x1x64xf32, #tpu.memory_space<hbm>>
        %dma_wait3A_170 = tpu.memref_squeeze %dma_wait3A_169 : memref<128x1x64xf32, #tpu.memory_space<hbm>> -> memref<128x64xf32, #tpu.memory_space<hbm>>
        %dma_wait3A_171 = arith.constant 0 : i32
        %dma_wait3A_172 = tpu.memref_slice %arg4[%mul3A_2, %sub3A_167, %dma_wait3A_171] : memref<4096x200x128xf32, #tpu.memory_space<hbm>> -> memref<128x1x64xf32, #tpu.memory_space<hbm>>
        %dma_wait3A_173 = tpu.memref_squeeze %dma_wait3A_172 : memref<128x1x64xf32, #tpu.memory_space<hbm>> -> memref<128x64xf32, #tpu.memory_space<hbm>>
        tpu.wait_dma2 semaphore(%arg15 : memref<!tpu.dma_semaphore, #tpu.memory_space<semaphore_mem>>) src(%arg7 : memref<128x64xf32, #tpu.memory_space<vmem>>) dst(%dma_wait3A_173 : memref<128x64xf32, #tpu.memory_space<hbm>>)
      } else {
      }
      %add3A_145 = arith.constant 2 : i32
      %add3A_146 = arith.addi %add3A_135, %add3A_145 : i32
      %lt3A_147 = arith.constant 200 : i32
      %lt3A_148 = arith.cmpi slt, %add3A_146, %lt3A_147 : i32
      %convert_element_type3A_149 = arith.extui %lt3A_148 : i1 to i32
      %cond3A_150 = arith.constant 0 : i32
      %cond3A_151 = arith.cmpi ne, %convert_element_type3A_149, %cond3A_150 : i32
      scf.if %cond3A_151 {
        %add3A_164 = arith.constant 2 : i32
        %add3A_165 = arith.addi %add3A_135, %add3A_164 : i32
        %dma_start3A_166 = arith.constant 0 : i32
        %dma_start3A_167 = tpu.memref_slice %arg5[%add3A_165, %dma_start3A_166] : memref<200x128xi32, #tpu.memory_space<vmem>> -> memref<1x128xi32, #tpu.memory_space<vmem>>
        %dma_start3A_168 = tpu.memref_squeeze %dma_start3A_167 : memref<1x128xi32, #tpu.memory_space<vmem>> -> memref<128xi32, #tpu.memory_space<vmem>>
        %dma_start3A_169 = arith.constant 0 : i32
        %dma_start3A_170 = arith.constant 0 : i32
        %dma_start3A_171 = tpu.memref_slice %arg3[%dma_start3A_169, %dma_start3A_170] : memref<1015808x64xf32, #tpu.memory_space<hbm>> -> memref<1015808x64xf32, #tpu.memory_space<hbm>>
        tpu.enqueue_indirect_dma source(%dma_start3A_171 : memref<1015808x64xf32, #tpu.memory_space<hbm>>) target(%arg7 : memref<128x64xf32, #tpu.memory_space<vmem>>) offsets(%dma_start3A_168 : memref<128xi32, #tpu.memory_space<vmem>>) semaphore(%arg11 : memref<!tpu.dma_semaphore, #tpu.memory_space<semaphore_mem>>)
      } else {
      }
      %dma_wait3A_152 = arith.constant 0 : i32
      %dma_wait3A_153 = tpu.memref_slice %arg5[%add3A_135, %dma_wait3A_152] : memref<200x128xi32, #tpu.memory_space<vmem>> -> memref<1x128xi32, #tpu.memory_space<vmem>>
      %dma_wait3A_154 = tpu.memref_squeeze %dma_wait3A_153 : memref<1x128xi32, #tpu.memory_space<vmem>> -> memref<128xi32, #tpu.memory_space<vmem>>
      %dma_wait3A_155 = arith.constant 0 : i32
      %dma_wait3A_156 = arith.constant 0 : i32
      %dma_wait3A_157 = tpu.memref_slice %arg3[%dma_wait3A_155, %dma_wait3A_156] : memref<1015808x64xf32, #tpu.memory_space<hbm>> -> memref<1015808x64xf32, #tpu.memory_space<hbm>>
      tpu.wait_indirect_dma semaphore(%arg13 : memref<!tpu.dma_semaphore, #tpu.memory_space<semaphore_mem>>) src(%dma_wait3A_157 : memref<1015808x64xf32, #tpu.memory_space<hbm>>) dst(%arg9 : memref<128x64xf32, #tpu.memory_space<vmem>>)
      %dma_start3A_158 = arith.constant 0 : i32
      %dma_start3A_159 = tpu.memref_slice %arg4[%mul3A_2, %add3A_135, %dma_start3A_158] : memref<4096x200x128xf32, #tpu.memory_space<hbm>> -> memref<128x1x64xf32, #tpu.memory_space<hbm>>
      %dma_start3A_160 = tpu.memref_squeeze %dma_start3A_159 : memref<128x1x64xf32, #tpu.memory_space<hbm>> -> memref<128x64xf32, #tpu.memory_space<hbm>>
      %dma_start3A_161 = arith.constant 0 : i32
      %dma_start3A_162 = tpu.memref_slice %arg4[%mul3A_2, %add3A_135, %dma_start3A_161] : memref<4096x200x128xf32, #tpu.memory_space<hbm>> -> memref<128x1x64xf32, #tpu.memory_space<hbm>>
      %dma_start3A_163 = tpu.memref_squeeze %dma_start3A_162 : memref<128x1x64xf32, #tpu.memory_space<hbm>> -> memref<128x64xf32, #tpu.memory_space<hbm>>
      tpu.enqueue_dma source(%arg9 : memref<128x64xf32, #tpu.memory_space<vmem>>) target(%dma_start3A_163 : memref<128x64xf32, #tpu.memory_space<hbm>>) target_semaphore(%arg17 : memref<!tpu.dma_semaphore, #tpu.memory_space<semaphore_mem>>)
    }
    %scan3A_26 = arith.constant 50 : i32
    %dma_wait3A = arith.constant 198 : i32
    %dma_wait3A_27 = arith.constant 0 : i32
    %dma_wait3A_28 = tpu.memref_slice %arg4[%mul3A_2, %dma_wait3A, %dma_wait3A_27] : memref<4096x200x128xf32, #tpu.memory_space<hbm>> -> memref<128x1x64xf32, #tpu.memory_space<hbm>>
    %dma_wait3A_29 = tpu.memref_squeeze %dma_wait3A_28 : memref<128x1x64xf32, #tpu.memory_space<hbm>> -> memref<128x64xf32, #tpu.memory_space<hbm>>
    %dma_wait3A_30 = arith.constant 0 : i32
    %dma_wait3A_31 = tpu.memref_slice %arg4[%mul3A_2, %dma_wait3A, %dma_wait3A_30] : memref<4096x200x128xf32, #tpu.memory_space<hbm>> -> memref<128x1x64xf32, #tpu.memory_space<hbm>>
    %dma_wait3A_32 = tpu.memref_squeeze %dma_wait3A_31 : memref<128x1x64xf32, #tpu.memory_space<hbm>> -> memref<128x64xf32, #tpu.memory_space<hbm>>
    tpu.wait_dma2 semaphore(%arg16 : memref<!tpu.dma_semaphore, #tpu.memory_space<semaphore_mem>>) src(%arg8 : memref<128x64xf32, #tpu.memory_space<vmem>>) dst(%dma_wait3A_32 : memref<128x64xf32, #tpu.memory_space<hbm>>)
    %dma_wait3A_33 = arith.constant 199 : i32
    %dma_wait3A_34 = arith.constant 0 : i32
    %dma_wait3A_35 = tpu.memref_slice %arg4[%mul3A_2, %dma_wait3A_33, %dma_wait3A_34] : memref<4096x200x128xf32, #tpu.memory_space<hbm>> -> memref<128x1x64xf32, #tpu.memory_space<hbm>>
    %dma_wait3A_36 = tpu.memref_squeeze %dma_wait3A_35 : memref<128x1x64xf32, #tpu.memory_space<hbm>> -> memref<128x64xf32, #tpu.memory_space<hbm>>
    %dma_wait3A_37 = arith.constant 0 : i32
    %dma_wait3A_38 = tpu.memref_slice %arg4[%mul3A_2, %dma_wait3A_33, %dma_wait3A_37] : memref<4096x200x128xf32, #tpu.memory_space<hbm>> -> memref<128x1x64xf32, #tpu.memory_space<hbm>>
    %dma_wait3A_39 = tpu.memref_squeeze %dma_wait3A_38 : memref<128x1x64xf32, #tpu.memory_space<hbm>> -> memref<128x64xf32, #tpu.memory_space<hbm>>
    tpu.wait_dma2 semaphore(%arg17 : memref<!tpu.dma_semaphore, #tpu.memory_space<semaphore_mem>>) src(%arg9 : memref<128x64xf32, #tpu.memory_space<vmem>>) dst(%dma_wait3A_39 : memref<128x64xf32, #tpu.memory_space<hbm>>)
    return
  }
}

module attributes {stable_mosaic.version = 14 : i64} {
  func.func @body(%arg0: i32, %arg1: memref<64x8192xf32, #tpu.memory_space<vmem>>, %arg2: memref<64x8192xf32, #tpu.memory_space<vmem>>, %arg3: memref<8192x128xf32, #tpu.memory_space<vmem>>) attributes {dimension_semantics = [#tpu.dimension_semantics<arbitrary>], iteration_bounds = array<i64: 62>, scalar_prefetch = 0 : i64, scratch_operands = 0 : i64, tpu.core_type = #tpu.core_type<tc>, window_params = [{transform_indices = @transform_0, window_bounds = array<i64: 64, 8192>}, {transform_indices = @transform_1, window_bounds = array<i64: 64, 8192>}, {transform_indices = @transform_2, window_bounds = array<i64: 8192, 128>}]} {
    %iota3A = tpu.iota {dimensions = array<i32: 0>} : vector<128x128xi32>
    %iota3A_0 = tpu.iota {dimensions = array<i32: 1>} : vector<128x128xi32>
    %eq3A = arith.cmpi eq, %iota3A, %iota3A_0 : vector<128x128xi32>
    %jit3A = arith.constant 8.000000e+00 : f32
    %jit3A_1 = arith.constant 0.000000e+00 : f32
    %broadcast_in_dim3A = vector.broadcast %jit3A : f32 to vector<128x128xf32>
    %broadcast_in_dim3A_2 = vector.broadcast %jit3A_1 : f32 to vector<128x128xf32>
    %select_n3A = arith.select %eq3A, %broadcast_in_dim3A, %broadcast_in_dim3A_2 : vector<128x128xi1>, vector<128x128xf32>
    %get3A = arith.constant 0 : index
    %get3A_3 = arith.constant 0 : index
    %get3A_4 = vector.load %arg1[%get3A, %get3A_3] : memref<64x8192xf32, #tpu.memory_space<vmem>>, vector<64x8192xf32>
    %get3A_5 = arith.constant 0 : index
    %get3A_6 = arith.constant 0 : index
    %get3A_7 = vector.load %arg2[%get3A_5, %get3A_6] : memref<64x8192xf32, #tpu.memory_space<vmem>>, vector<64x8192xf32>
    %concatenate3A = tpu.concatenate %get3A_4, %get3A_7 in 0 : vector<64x8192xf32>, vector<64x8192xf32> -> vector<128x8192xf32>
    %slice3A = vector.extract_strided_slice %concatenate3A {offsets = [0, 0], sizes = [128, 4096], strides = [1, 1]} : vector<128x8192xf32> to vector<128x4096xf32>
    %dot_general3A = arith.constant dense<0.000000e+00> : vector<4096x128xf32>
    %dot_general3A_8 = tpu.matmul %slice3A, %select_n3A, %dot_general3A {dimension_numbers = #tpu.dot_dimension_numbers<[0], [0], [1], [1], [0, 1, 1, 1], [], []>, transpose_lhs_hint = false} : vector<128x4096xf32>, vector<128x128xf32>, vector<4096x128xf32> -> vector<4096x128xf32>
    %swap3A = arith.constant 0 : index
    %swap3A_9 = arith.constant 0 : index
    %swap3A_10 = vector.load %arg3[%swap3A, %swap3A_9] : memref<8192x128xf32, #tpu.memory_space<vmem>>, vector<4096x128xf32>
    tpu.vector_store %arg3[%swap3A, %swap3A_9], %dot_general3A_8 {strides = array<i32>} : memref<8192x128xf32, #tpu.memory_space<vmem>>, vector<4096x128xf32>,
    %slice3A_11 = vector.extract_strided_slice %concatenate3A {offsets = [0, 4096], sizes = [128, 4096], strides = [1, 1]} : vector<128x8192xf32> to vector<128x4096xf32>
    %dot_general3A_12 = arith.constant dense<0.000000e+00> : vector<4096x128xf32>
    %dot_general3A_13 = tpu.matmul %slice3A_11, %select_n3A, %dot_general3A_12 {dimension_numbers = #tpu.dot_dimension_numbers<[0], [0], [1], [1], [0, 1, 1, 1], [], []>, transpose_lhs_hint = false} : vector<128x4096xf32>, vector<128x128xf32>, vector<4096x128xf32> -> vector<4096x128xf32>
    %swap3A_14 = arith.constant 4096 : index
    %swap3A_15 = arith.constant 0 : index
    %swap3A_16 = vector.load %arg3[%swap3A_14, %swap3A_15] : memref<8192x128xf32, #tpu.memory_space<vmem>>, vector<4096x128xf32>
    tpu.vector_store %arg3[%swap3A_14, %swap3A_15], %dot_general3A_13 {strides = array<i32>} : memref<8192x128xf32, #tpu.memory_space<vmem>>, vector<4096x128xf32>,
    return
  }
  func.func @transform_0(%arg0: i32) -> (i32, i32) {
    %c0_i32 = arith.constant 0 : i32
    %c0_i32_0 = arith.constant 0 : i32
    return %c0_i32, %arg0 : i32, i32
  }
  func.func @transform_1(%arg0: i32) -> (i32, i32) {
    %add3A = arith.constant 62 : i32
    %add3A_0 = arith.addi %arg0, %add3A : i32
    %min3A = arith.constant 122 : i32
    %min3A_1 = arith.minsi %add3A_0, %min3A : i32
    %c0_i32 = arith.constant 0 : i32
    %c0_i32_2 = arith.constant 0 : i32
    return %c0_i32, %min3A_1 : i32, i32
  }
  func.func @transform_2(%arg0: i32) -> (i32, i32) {
    %c0_i32 = arith.constant 0 : i32
    %c0_i32_0 = arith.constant 0 : i32
    return %arg0, %c0_i32 : i32, i32
  }
}

</mosaic_0001>

<sc_bundles>
// kernel: kernel.4.cloned.1.call-start
scs
__scs_entry_jumppad:
0x0: {  	(pc) =	sbr.rel $0x88, $3  }
0x1: {  	(tag) =	ssettag $0x0;
	lr =	simm.s32 $0x1  }
0x2: {  	[smem:$0x3F9F] =	sst lr;
	_ =	strace $0xD0000000  }
0x3: {  	_ = 	snop  }
0x4: {  	_ = 	snop  }
0x5: {  	_ = 	snop  }
0x6: {  	_ = 	snop  }
0x7: {  	_ = 	snop  }
__scs_overlays_trampoline_lowered:
0x8: {  	[smem:$0x3FAE] =	sst s0  }
0x9: {  	[smem:$0x3FAF] =	sst s1  }
0xa: {  	[smem:$0x3FB0] =	sst s2  }
0xb: {  	[smem:$0x3FB1] =	sst s3  }
0xc: {  	[smem:$0x3FB2] =	sst s4  }
0xd: {  	[smem:$0x3FB3] =	sst s5  }
0xe: {  	[smem:$0x3FB4] =	sst s6  }
0xf: {  	[smem:$0x3FB5] =	sst s7  }
0x10: {  	[smem:$0x3FB6] =	sst s8  }
0x11: {  	[smem:$0x3FB7] =	sst s9;
	s0 =	simm.s32 @!p0 $0x0  }
0x12: {  	s1 =	sld [smem:$0x3F9D];
	s0 =	simm.s32 @p0 $0x1  }
0x13: {  	[smem:$0x3FB8] =	sst s0;
	s0 =	simm.s32 @!p1 $0x0  }
0x14: {  	s2 =	sld [smem:$0x3F9C];
	s0 =	simm.s32 @p1 $0x1  }
0x15: {  	[smem:$0x3FB9] =	sst s0;
	s0 =	simm.s32 @!p2 $0x0  }
0x16: {  	s3 =	sld [smem:$0x3FDB];
	s0 =	simm.s32 @p2 $0x1  }
0x17: {  	s4 =	simm.s32 $0x1BF5;
	[smem:$0x3FBB] =	sst s0  }
0x18: {  	s0 =	sld [smem:$0x3F9E];
	_ =	swait.ge [sflag:s4], $0x0  }
0x19: {  	s7 =	sld [smem:$0x3F9F]  }
0x1a: {  	s8 =	sadd.s32 $0xFFFFE003, lr  }
0x1b: {  	s9 =	sadd.s32 $0xFFFFFEF7, lr;
	s5 =	simm.s32 $0xFFFFFFFF;
	p2 =	slt.u32 s8, $0xFFFFF086  }
0x1c: {  	p1 =	slt.u32 s9, $0xF7A;
	s5 =	simm.s32 @!p2 $0x0  }
0x1d: {  	s5 =	simm.s32 @p1 $0x1;
	p0 =	seq.s32 s7, s2  }
0x1e: {  	s7 =	smul.u32 @!p0 $0xF7A, s2;
	p2 =	seq.s32 @!p0 s5, $0x0  }
0x1f: {  	s9 =	smul.u32 $0xF7A, s1;
	s8 =	simm.s32 @!p0 $0x1BF5;
	p2 =	por !p2, p0  }
0x20: {  	[sflag:s8] =	ssyncset.s32 @!p0 $0xFFFFF086;
	s6 =	sadd.s32 @!p0 s3, s7;
	s7 =	simm.s32 @!p0 $0x108  }
0x21: {  	s3 =	sadd.s32 s3, s9;
	s6 =	sadd.s32 @!p0 $0x88, s6;
	s7 =	simm.s32 @p2 $0x1082  }
0x22: {  	[simem:s7], [sflag:s8] =	dma.local @!p0 [hbm:s6], $0xF7A  }
0x23: {  	s9 =	sor.u32 $0xD0000000, s2;
	s6 =	simm.s32 $0x108;
	_ =	swait.ge @!p0 [sflag:s8], $0x0  }
0x24: {  	s3 =	sadd.s32 $0x88, s3;
	s6 =	simm.s32 @!p1 $0x1082;
	[sflag:s4] =	ssyncset.s32 $0xFFFFF086  }
0x25: {  	[simem:s6], [sflag:s4] =	dma.local [hbm:s3], $0xF7A  }
0x26: {  	[smem:$0x3F9F] =	sst s1;
	(tag) =	ssettag s2;
	_ =	strace s9  }
0x27: {  	s1 =	sld [smem:$0x3FAF]  }
0x28: {  	s2 =	sld [smem:$0x3FB0]  }
0x29: {  	s4 =	sld [smem:$0x3FB2]  }
0x2a: {  	p0 =	seq.s32 s5, $0x0;
	s5 =	sld [smem:$0x3FB3]  }
0x2b: {  	s6 =	sld [smem:$0x3FB4]  }
0x2c: {  	s7 =	sld [smem:$0x3FB5]  }
0x2d: {  	s3 =	simm.s32 $0x108;
	s8 =	sld [smem:$0x3FB6]  }
0x2e: {  	s3 =	simm.s32 @!p0 $0x1082;
	s9 =	sld [smem:$0x3FB7]  }
0x2f: {  	lr =	sadd.s32 s0, s3;
	s0 =	sld [smem:$0x3FAE]  }
0x30: {  	s3 =	sld [smem:$0x3FB1]  }
0x31: {  	[smem:$0x3FBA] =	sst s10  }
0x32: {  	s10 =	sld [smem:$0x3FB8];
	_ =	sdelay $0x3  }
0x33: {  	p0 =	seq.s32 s10, $0x1;
	s10 =	sld [smem:$0x3FBA];
	_ =	sdelay $0x3  }
0x34: {  	[smem:$0x3FBA] =	sst s10  }
0x35: {  	s10 =	sld [smem:$0x3FB9];
	_ =	sdelay $0x3  }
0x36: {  	p1 =	seq.s32 s10, $0x1;
	s10 =	sld [smem:$0x3FBA];
	_ =	sdelay $0x3  }
0x37: {  	[smem:$0x3FBA] =	sst s10  }
0x38: {  	s10 =	sld [smem:$0x3FBB]  }
0x39: {  	_ = 	snop;
	(pc) =	sbr.ind lr, $3  }
0x3a: {  	_ = 	snop  }
0x3b: {  	_ = 	snop  }
0x3c: {  	p2 =	seq.s32 s10, $0x1;
	s10 =	sld [smem:$0x3FBA]  }
0x3d: {  	_ =	shalt  }
0x3e: {  	_ =	shalt  }
0x3f: {  	_ =	shalt  }
0x40: {  	_ =	shalt  }
0x41: {  	_ =	shalt  }
0x42: {  	_ =	shalt  }
0x43: {  	_ =	shalt  }
0x44: {  	_ =	shalt  }
0x45: {  	_ =	shalt  }
0x46: {  	_ =	shalt  }
0x47: {  	_ =	shalt  }
0x48: {  	_ =	shalt  }
0x49: {  	_ =	shalt  }
0x4a: {  	_ =	shalt  }
0x4b: {  	_ =	shalt  }
0x4c: {  	_ =	shalt  }
0x4d: {  	_ =	shalt  }
0x4e: {  	_ =	shalt  }
0x4f: {  	_ =	shalt  }
0x50: {  	_ =	shalt  }
0x51: {  	_ =	shalt  }
0x52: {  	_ =	shalt  }
0x53: {  	_ =	shalt  }
0x54: {  	_ =	shalt  }
0x55: {  	_ =	shalt  }
0x56: {  	_ =	shalt  }
0x57: {  	_ =	shalt  }
0x58: {  	_ =	shalt  }
0x59: {  	_ =	shalt  }
0x5a: {  	_ =	shalt  }
0x5b: {  	_ =	shalt  }
0x5c: {  	_ =	shalt  }
0x5d: {  	_ =	shalt  }
0x5e: {  	_ =	shalt  }
0x5f: {  	_ =	shalt  }
0x60: {  	_ =	shalt  }
0x61: {  	_ =	shalt  }
0x62: {  	_ =	shalt  }
0x63: {  	_ =	shalt  }
0x64: {  	_ =	shalt  }
0x65: {  	_ =	shalt  }
0x66: {  	_ =	shalt  }
0x67: {  	_ =	shalt  }
0x68: {  	_ =	shalt  }
0x69: {  	_ =	shalt  }
0x6a: {  	_ =	shalt  }
0x6b: {  	_ =	shalt  }
0x6c: {  	_ =	shalt  }
0x6d: {  	_ =	shalt  }
0x6e: {  	_ =	shalt  }
0x6f: {  	_ =	shalt  }
0x70: {  	_ =	shalt  }
0x71: {  	_ =	shalt  }
0x72: {  	_ =	shalt  }
0x73: {  	_ =	shalt  }
0x74: {  	_ =	shalt  }
0x75: {  	_ =	shalt  }
0x76: {  	_ =	shalt  }
0x77: {  	_ =	shalt  }
0x78: {  	_ =	shalt  }
0x79: {  	_ =	shalt  }
0x7a: {  	_ =	shalt  }
0x7b: {  	_ =	shalt  }
0x7c: {  	_ =	shalt  }
0x7d: {  	_ =	shalt  }
0x7e: {  	_ =	shalt  }
0x7f: {  	_ =	shalt  }
0x80: {  	_ =	shalt  }
0x81: {  	_ =	shalt  }
0x82: {  	_ =	shalt  }
0x83: {  	_ =	shalt  }
0x84: {  	_ =	shalt  }
0x85: {  	_ =	shalt  }
0x86: {  	_ =	shalt  }
0x87: {  	_ =	shalt  }
.Lfunc_end0:
.L_simem_size_0:
called_computation.1_lowered:
.L_overlay_start_0:
0x88: {  	s2 =	sld [smem:$0x3FD9]  }
0x89: {  	s3 =	sld [smem:$0x3FFE];
	_ =	sdelay $0x1  }
0x8a: {  	s1 =	srdreg.scid  }
0x8b: {  	s0 =	sand.u32 $0x1, s1  }
0x8c: {  	s17 =	sshll.u32 s0, $0xA;
	s2 =	sadd.s32 s3, s2  }
0x8d: {  	s2 =	sadd.s32 s2, s17  }
0x8e: {  	[smem:$0x3FC6] =	sst s2  }
0x8f: {  	_ = 	snop  }
0x90: {  	s2 =	sld [smem:$0x3FD0];
	(tm) =	ssettm $0x1  }
0x91: {  	s18 =	sld [smem:$0x3FFB];
	_ =	sdelay $0x3  }
0x92: {  	_ =	strace s18  }
0x93: {  	s3 =	sld [smem:$0x3FFC];
	_ =	sdelay $0x3  }
0x94: {  	_ =	strace s3  }
0x95: {  	s3 =	sld [smem:$0x3FFD];
	_ =	sdelay $0x3  }
0x96: {  	_ =	strace s3  }
0x97: {  	_ =	strace $0x8FFFFFFF  }
0x98: {  	s19 =	sld [smem:$0x3FDB];
	_ =	sdelay $0x1  }
0x99: {  	s4 =	simm.s32 $_scs_section_size  }
0x9a: {  	s5 =	simm.s32 $_size__tile_overlayer_lowered;
	s6 =	simm.s32 $_tile_overlayer_lowered  }
0x9b: {  	s22 =	simm.s32 $0x1BFF;
	s21 =	sshll.u32 s6, $0x1;
	s3 =	sadd.s32 s4, s19  }
0x9c: {  	s7 =	simm.s32 $0x0;
	s20 =	sshll.u32 s5, $0x1;
	s5 =	sadd.s32 s21, s3  }
0x9d: {  	[timem:s7], [sflag:s22] =	dma.local [hbm:s5], s20  }
0x9e: {  	_ =	swait.ge [sflag:s22], s20  }
0x9f: {  	s4 =	ssub.s32 $0x0, s20;
	[sflag:s22] =	ssyncset.done $0x0  }
0xa0: {  	[sflag:s22] =	ssyncadd.s32 s4;
	_ =	sdelay $0x1  }
0xa1: {  	s23 =	simm.s32 $0x1B8B  }
0xa2: {  	_ =	swait.ge [sflag:s23], $0x1  }
0xa3: {  	[sflag:s23] =	ssyncset.done $0x0  }
0xa4: {  	s25 =	simm.s32 $0x1B8E;
	s24 =	sld [smem:$0x3FFE];
	[sflag:s23] =	ssyncadd.s32 $0xFFFFFFFF  }
0xa5: {  	s26 =	simm.s32 $execute0_lowered;
	[smem:$0x3FD2] =	sst s25  }
0xa6: {  	s5 =	sshll.u32 s26, $0x1;
	_ =	strace $0x80000046;
	[dreg:$0x1] =	wrdreg $0xFFFFFFFF  }
0xa7: {  	s28 =	simm.s32 $_size_execute0_lowered;
	s3 =	sadd.s32 s3, s5;
	[dreg:$0x0] =	wrdreg $0x0  }
0xa8: {  	s5 =	sshll.u32 s28, $0x1;
	[dreg:$0x2] =	wrdreg s3  }
0xa9: {  	[dreg:$0x3] =	wrdreg s5  }
0xaa: {  	[dreg:$0x4] =	wrdreg $0xC0  }
0xab: {  	_ =	task [dreg:s7], $0x5FFFF  }
0xac: {  	[dreg:$0x1] =	wrdreg $0xFFFFFFFF  }
0xad: {  	[dreg:$0x0] =	wrdreg $0x60  }
0xae: {  	[dreg:$0x2] =	wrdreg s2  }
0xaf: {  	[dreg:$0x3] =	wrdreg s24  }
0xb0: {  	[dreg:$0x4] =	wrdreg $0x9  }
0xb1: {  	_ =	task.clear_ibuf [dreg:s7], $0x5FFFF;
	_ =	strace $0x90000046  }
0xb2: {  	s29 =	simm.s32 $0x9;
	_ =	strace $0x80000048  }
0xb3: {  	_ =	swait.ge [sflag:s29], $0x1  }
0xb4: {  	[sflag:s29] =	ssyncadd.s32 $0xFFFFFFFF  }
0xb5: {  	_ =	strace $0x90000048  }
0xb6: {  	_ =	sfence  }
0xb7: {  	s30 =	sld [smem:$0x0];
	_ =	sdelay $0x2  }
0xb8: {  	s31 =	sshll.u32 s1, $0xD;
	s1 =	sshrl.u32 s1, $0x2  }
0xb9: {  	s3 =	sand.u32 $0x4000, s31;
	s1 =	sadd.s32 s1, s30  }
0xba: {  	s0 =	sor.u32 s3, s0;
	s1 =	sshll.u32 s1, $0x11  }
0xbb: {  	s0 =	sor.u32 s1, s0  }
0xbc: {  	s0 =	sadd.s32 $0x8F2B, s0  }
0xbd: {  	[sflag:s0] =	ssyncadd.remote.s32 $0x1  }
0xbe: {  	_ =	sfence.sel $0xFFFF  }
0xbf: {  	[dreg:$0x0] =	wrdreg $0xFFFFFFFF;
	(pc) =	sbr.abs _section_cstart, $3  }
0xc0: {  	[dreg:$0x1] =	wrdreg $0xFFFFFFFF  }
0xc1: {  	_ =	task.clear_ibuf [dreg:s7], $0x2FFFF;
	_ =	strace $0x9FFFFFFF  }
0xc2: {  	(tm) =	ssettm $0x7FFFFFFF  }
0xc3: {  	_ =	shalt  }
tec
execute0_lowered:
.L_overlay_start_1:
0x0: {  	(tag) =	ssettag $0x1  }
0x1: {  	s0 =	rddreg [dreg:$0x0]  }
0x2: {  	s1 =	rddreg [dreg:$0x1]  }
0x3: {  	s3 =	simm.s32 $0x0;
	s2 =	srdreg.scid;
	s6 =	stileid.u32  }
0x4: {  	s10 =	simm.s32 $0x80;
	s13 =	simm.s32 $0x6400;
	s14 =	simm.s32 $0x8400  }
0x5: {  	s15 =	simm.s32 $0xA400;
	s16 =	simm.s32 $0x1;
	s17 =	simm.s32 $0x40  }
0x6: {  	s18 =	simm.s32 $0xC400;
	s19 =	simm.s32 $0x2;
	s20 =	simm.s32 $0x5  }
0x7: {  	s21 =	simm.s32 $0x3;
	s22 =	simm.s32 $0x6;
	[smem:$0x7FF] =	sst s3  }
0x8: {  	s2 =	sand.u32 $0x1, s2;
	s4 =	smul.u32 $0x640000, s6;
	s3 =	sadd.s32 $0x800, s1  }
0x9: {  	s1 =	sadd.s32 $0x7C0800, s1;
	s6 =	sshll.u32 s6, $0x8;
	s5 =	smul.u32 $0x320000, s2  }
0xa: {  	_ =	strace $0x80000047;
	s7 =	sshll.u32 s2, $0x7;
	s2 =	ssub.s32 $0x2, s2  }
0xb: {  	s6 =	sor.u32 s7, s6;
	s24 =	sshrl.u32 s2, $0x1;
	s23 =	sadd.s32 s5, s4  }
0xc: {  	s25 =	sshrl.u32 s6, $0x3;
	s2 =	ssub.s32 s2, s24;
	s24 =	simm.s32 $0x7  }
0xd: {  	s26 =	sor.u32 $0x80, s23;
	s0 =	sadd.s32 s0, s25;
	s2 =	smax.u32 s2, $0x1  }
0xe: {  	s29 =	sor.u32 $0x180, s23;
	s30 =	sshrl.u32 s23, $0x3;
	s8 =	sor.u32 $0x100, s23  }
0xf: {  	s23 =	simm.s32 $0x4;
	s25 =	simm.s32 $0x8;
	[dreg:$0x3] =	wrdreg s0  }
0x10: {  	s28 =	sshrl.u32 s26, $0x3;
	[dreg:$0x4] =	wrdreg s2;
	s0 =	sshrl.u32 s29, $0x3  }
0x11: {  	s7 =	sadd.s32 s30, s1;
	s31 =	sshrl.u32 s8, $0x3;
	s26 =	simm.s32 $0x0  }
0x12: {  	s6 =	sadd.s32 s28, s1;
	s2 =	sadd.s32 s0, s1;
	s9 =	sadd.s32 s31, s1  }
.LBB2_1:
0x13: {  	s0 =	simm.s32 $0x0  }
0x14: {  	s1 =	rddreg [dreg:$0x3];
	s4 =	simm.s32 $0x1000;
	s31 =	simm.s32 $0x9  }
0x15: {  	[tilespmem:s0], [sflag:$0x9] =	stream.strided.gather [hbm4b:s1+s10], $0x6400, s4, s10, $0x38;
	[tilespmem:$0xE400] =	vst v63  }
0x16: {  	_ =	swait.ge [sflag:s31], $0x6400  }
0x17: {  	[sflag:s31] =	ssyncset.done $0x0  }
0x18: {  	s28 =	simm.s32 $0x0;
	[sflag:s31] =	ssyncadd.s32 $0xFFFF9C00  }
0x19: {  	v1 =	vld [tilespmem:s28+$0x0]  }
0x1a: {  	v2 =	vld [tilespmem:s28+$0x10]  }
0x1b: {  	v8 =	vld [tilespmem:s28+$0x20]  }
0x1c: {  	v3 =	vld [tilespmem:s28+$0x30];
	_ =	sdelay $0x2  }
0x1d: {  	v0 =	vld [tilespmem:s28+$0x40];
	v5 =	vshll.u32 v1, $0x1  }
0x1e: {  	vm0 =	vgt.s32 v1, $0x7BFFF;
	v4 =	vshll.u32 v2, $0x1;
	v1 =	vld [tilespmem:s28+$0x50];
	v7 =	vshll.u32 v8, $0x1  }
0x1f: {  	vm1 =	vgt.s32 v8, $0x7BFFF;
	v8 =	vshll.u32 v3, $0x1;
	v6 =	vadd.s32 $0xFFF08001, v5  }
0x20: {  	s0 =	simm.s32 $0x200;
	v5 =	vsel vm0, v6, v5;
	vm0 =	vgt.s32 v2, $0x7BFFF;
	v6 =	vadd.s32 $0xFFF08001, v4;
	v2 =	vld [tilespmem:s28+$0x60]  }
.LBB2_2:
0x21: {  	p0 =	sne.s32 s0, $0x18E00;
	v9 =	vadd.s32 $0xFFF08001, v7;
	vm2 =	vgt.s32 v3, $0x7BFFF;
	v3 =	vadd.s32 $0xFFF08001, v8;
	v10 =	vld [tilespmem:s28+$0x70]  }
0x22: {  	s1 =	sshra.s32 s0, $0x2;
	v4 =	vsel vm0, v6, v4;
	[tilespmem:s28+$0x0] =	vst v5;
	v5 =	vsel vm1, v9, v7;
	v3 =	vsel vm2, v3, v8  }
0x23: {  	vm0 =	vgt.s32 v0, $0x7BFFF;
	v6 =	vld [tilespmem:s1+$0x0];
	[tilespmem:s28+$0x10] =	vst v4;
	v4 =	vshll.u32 v0, $0x1;
	v0 =	vshll.u32 v1, $0x1  }
0x24: {  	vm1 =	vgt.s32 v1, $0x7BFFF;
	v7 =	vld [tilespmem:s1+$0x10];
	[tilespmem:s28+$0x20] =	vst v5;
	v5 =	vadd.s32 $0xFFF08001, v4;
	v1 =	vadd.s32 $0xFFF08001, v0  }
0x25: {  	v8 =	vld [tilespmem:s1+$0x20];
	[tilespmem:s28+$0x30] =	vst v3;
	v4 =	vsel vm0, v5, v4;
	v0 =	vsel vm1, v1, v0;
	v1 =	vshll.u32 v2, $0x1  }
0x26: {  	vm0 =	vgt.s32 v2, $0x7BFFF;
	v3 =	vld [tilespmem:s1+$0x30];
	[tilespmem:s28+$0x40] =	vst v4;
	v2 =	vadd.s32 $0xFFF08001, v1;
	v4 =	vshll.u32 v10, $0x1  }
.Ltmp0:
0x27: {  	[tilespmem:s28+$0x50] =	vst v0;
	v1 =	vsel vm0, v2, v1;
	vm0 =	vgt.s32 v10, $0x7BFFF;
	v2 =	vadd.s32 $0xFFF08001, v4;
	(pc) =	sbr.rel @p0 .LBB2_2-.Ltmp0, $4  }
0x28: {  	v5 =	vshll.u32 v6, $0x1;
	v0 =	vld [tilespmem:s1+$0x40];
	[tilespmem:s28+$0x60] =	vst v1;
	v2 =	vsel vm0, v2, v4  }
0x29: {  	vm0 =	vgt.s32 v6, $0x7BFFF;
	v6 =	vadd.s32 $0xFFF08001, v5;
	v4 =	vshll.u32 v7, $0x1;
	v1 =	vld [tilespmem:s1+$0x50];
	[tilespmem:s28+$0x70] =	vst v2;
	s28 =	smov.u32 s1  }
0x2a: {  	v5 =	vsel vm0, v6, v5;
	vm0 =	vgt.s32 v7, $0x7BFFF;
	v6 =	vadd.s32 $0xFFF08001, v4  }
0x2b: {  	s0 =	sadd.s32 $0x200, s0;
	v7 =	vshll.u32 v8, $0x1;
	vm1 =	vgt.s32 v8, $0x7BFFF;
	v8 =	vshll.u32 v3, $0x1;
	v2 =	vld [tilespmem:s28+$0x60]  }
0x2c: {  	v9 =	vadd.s32 $0xFFF08001, v7;
	vm2 =	vgt.s32 v3, $0x7BFFF;
	v51 =	vadd.s32 $0xFFF08001, v8;
	v10 =	vld [tilespmem:s28+$0x70]  }
0x2d: {  	[tilespmem:s28+$0x0] =	vst v5;
	v4 =	vsel vm0, v6, v4;
	v52 =	vsel vm1, v9, v7;
	v3 =	vsel vm2, v51, v8  }
0x2e: {  	[tilespmem:s28+$0x10] =	vst v4;
	v53 =	vshll.u32 v0, $0x1;
	vm12 =	vgt.s32 v0, $0x7BFFF;
	v54 =	vshll.u32 v1, $0x1  }
0x2f: {  	[tilespmem:s28+$0x20] =	vst v52;
	v55 =	vadd.s32 $0xFFF08001, v53;
	vm13 =	vgt.s32 v1, $0x7BFFF;
	v56 =	vadd.s32 $0xFFF08001, v54  }
0x30: {  	[tilespmem:s28+$0x30] =	vst v3;
	v57 =	vsel vm12, v55, v53;
	v0 =	vsel vm13, v56, v54;
	v58 =	vshll.u32 v2, $0x1  }
0x31: {  	[tilespmem:s28+$0x40] =	vst v57;
	vm14 =	vgt.s32 v2, $0x7BFFF;
	v59 =	vadd.s32 $0xFFF08001, v58;
	v60 =	vshll.u32 v10, $0x1  }
0x32: {  	[tilespmem:s28+$0x50] =	vst v0;
	vm15 =	vgt.s32 v10, $0x7BFFF;
	v61 =	vsel vm14, v59, v58;
	v62 =	vadd.s32 $0xFFF08001, v60  }
0x33: {  	[tilespmem:s28+$0x60] =	vst v61;
	v63 =	vsel vm15, v62, v60  }
0x34: {  	s0 =	simm.s32 $0x0;
	p0 =	por $0x1, $0x1;
	[tilespmem:s28+$0x70] =	vst v63  }
0x35: {  	[tilespmem:s13], [sflag:$0x1] =	stream.indirect.gather [hbm4b:s3+s10], $0x40, s0, s10, $0xb8;
	[tilespmem:$0xE400] =	vst v63  }
0x36: {  	s0 =	simm.s32 @!p0 $0x7  }
0x37: {  	[tilespmem:s14], [sflag:$0x2] =	stream.indirect.gather [hbm4b:s3+s10], $0x40, s10, s10, $0xb8;
	[tilespmem:$0xE400] =	vst v63  }
0x38: {  	_ =	swait.ge @!p0 [sflag:s0], $0x2000  }
0x39: {  	[sflag:s0] =	ssyncset.done @!p0 $0x0  }
0x3a: {  	s11 =	simm.s32 $0x100;
	[sflag:s0] =	ssyncadd.s32 @!p0 $0xFFFFE000  }
0x3b: {  	[tilespmem:s15], [sflag:$0x3] =	stream.indirect.gather [hbm4b:s3+s10], $0x40, s11, s10, $0xb8;
	[tilespmem:$0xE400] =	vst v63  }
0x3c: {  	_ =	swait.ge [sflag:s16], $0x2000  }
0x3d: {  	[sflag:s16] =	ssyncset.done $0x0  }
0x3e: {  	s0 =	simm.s32 @!p0 $0x8;
	[sflag:s16] =	ssyncadd.s32 $0xFFFFE000  }
0x3f: {  	[hbm4b:s7+s17] =	stream.strided.scatter [tilespmem:s13], [sflag:$0x5], $0x2000, s13, s17, $0x38;
	[tilespmem:$0xE400] =	vst v63  }
0x40: {  	_ =	swait.ge @!p0 [sflag:s0], $0x2000  }
0x41: {  	[sflag:s0] =	ssyncset.done @!p0 $0x0  }
0x42: {  	s12 =	simm.s32 $0x180;
	[sflag:s0] =	ssyncadd.s32 @!p0 $0xFFFFE000  }
0x43: {  	[tilespmem:s18], [sflag:$0x4] =	stream.indirect.gather [hbm4b:s3+s10], $0x40, s12, s10, $0xb8;
	[tilespmem:$0xE400] =	vst v63  }
0x44: {  	_ =	swait.ge [sflag:s19], $0x2000  }
0x45: {  	[sflag:s19] =	ssyncset.done $0x0  }
0x46: {  	[sflag:s19] =	ssyncadd.s32 $0xFFFFE000  }
0x47: {  	[hbm4b:s6+s17] =	stream.strided.scatter [tilespmem:s14], [sflag:$0x6], $0x2000, s13, s17, $0x38;
	[tilespmem:$0xE400] =	vst v63  }
0x48: {  	p0 =	por $0x0, $0x0;
	_ =	swait.ge [sflag:s20], $0x2000  }
0x49: {  	s0 =	simm.s32 @!p0 $0x6400;
	[sflag:s20] =	ssyncset.done $0x0  }
0x4a: {  	s1 =	simm.s32 @!p0 $0x200;
	s8 =	simm.s32 @!p0 $0x80;
	[sflag:s20] =	ssyncadd.s32 $0xFFFFE000  }
0x4b: {  	[tilespmem:s0], [sflag:$0x1] =	stream.indirect.gather @!p0 [hbm4b:s3+s8], $0x40, s1, s8, $0xb8;
	[tilespmem:$0xE400] =	vst v63  }
0x4c: {  	_ =	swait.ge [sflag:s21], $0x2000  }
0x4d: {  	[sflag:s21] =	ssyncset.done $0x0  }
0x4e: {  	[sflag:s21] =	ssyncadd.s32 $0xFFFFE000  }
0x4f: {  	[hbm4b:s9+s17] =	stream.strided.scatter [tilespmem:s15], [sflag:$0x7], $0x2000, s13, s17, $0x38;
	[tilespmem:$0xE400] =	vst v63  }
0x50: {  	s30 =	simm.s32 $0x800;
	s29 =	sadd.s32 $0x40, s9;
	_ =	swait.ge [sflag:s22], $0x2000  }
0x51: {  	p1 =	por $0x0, $0x0;
	s31 =	sadd.s32 $0x40, s6;
	[sflag:s22] =	ssyncset.done $0x0  }
0x52: {  	s28 =	simm.s32 @!p0 $0x8400;
	s0 =	simm.s32 @!p0 $0x280;
	[sflag:s22] =	ssyncadd.s32 $0xFFFFE000  }
0x53: {  	[tilespmem:s28], [sflag:$0x2] =	stream.indirect.gather @!p0 [hbm4b:s3+s8], $0x40, s0, s8, $0xb8;
	[tilespmem:$0xE400] =	vst v63  }
0x54: {  	s1 =	simm.s32 $0x1000;
	s0 =	sadd.s32 $0x40, s7;
	_ =	swait.ge [sflag:s23], $0x2000  }
0x55: {  	s28 =	sadd.s32 $0x40, s2;
	s8 =	smov.u32 s2;
	[sflag:s23] =	ssyncset.done $0x0  }
.LBB2_4:
0x56: {  	s11 =	simm.s32 @!p1 $0x7  }
0x57: {  	[sflag:s23] =	ssyncadd.s32 $0xFFFFE000;
	s4 =	smov.u32 s1;
	s1 =	sadd.s32 $0x800, s1  }
0x58: {  	[hbm4b:s8+s17] =	stream.strided.scatter [tilespmem:s18], [sflag:$0x8], $0x2000, s13, s17, $0x38;
	[tilespmem:$0xE400] =	vst v63  }
0x59: {  	p0 =	sne.s32 s1, $0x19000;
	s8 =	smov.u32 s28;
	_ =	swait.ge @!p1 [sflag:s11], $0x2000  }
0x5a: {  	s5 =	sshra.s32 s30, $0x2;
	[sflag:s11] =	ssyncset.done @!p1 $0x0  }
0x5b: {  	[sflag:s11] =	ssyncadd.s32 @!p1 $0xFFFFE000;
	s11 =	sadd.s32 $0x100, s5  }
0x5c: {  	[tilespmem:s15], [sflag:$0x3] =	stream.indirect.gather [hbm4b:s3+s10], $0x40, s11, s10, $0xb8;
	[tilespmem:$0xE400] =	vst v63  }
0x5d: {  	_ =	swait.ge [sflag:s16], $0x2000  }
0x5e: {  	[sflag:s16] =	ssyncset.done $0x0  }
0x5f: {  	s11 =	simm.s32 @!p1 $0x8;
	[sflag:s16] =	ssyncadd.s32 $0xFFFFE000  }
0x60: {  	[hbm4b:s0+s17] =	stream.strided.scatter [tilespmem:s13], [sflag:$0x5], $0x2000, s13, s17, $0x38;
	[tilespmem:$0xE400] =	vst v63  }
0x61: {  	_ =	swait.ge @!p1 [sflag:s11], $0x2000  }
0x62: {  	[sflag:s11] =	ssyncset.done @!p1 $0x0  }
0x63: {  	s5 =	sadd.s32 $0x180, s5;
	[sflag:s11] =	ssyncadd.s32 @!p1 $0xFFFFE000  }
0x64: {  	[tilespmem:s18], [sflag:$0x4] =	stream.indirect.gather [hbm4b:s3+s10], $0x40, s5, s10, $0xb8;
	[tilespmem:$0xE400] =	vst v63  }
0x65: {  	_ =	swait.ge [sflag:s19], $0x2000  }
0x66: {  	[sflag:s19] =	ssyncset.done $0x0  }
0x67: {  	[sflag:s19] =	ssyncadd.s32 $0xFFFFE000  }
0x68: {  	[hbm4b:s31+s17] =	stream.strided.scatter [tilespmem:s14], [sflag:$0x6], $0x2000, s13, s17, $0x38;
	[tilespmem:$0xE400] =	vst v63  }
0x69: {  	p1 =	seq.s32 s30, $0x18800;
	_ =	swait.ge [sflag:s20], $0x2000  }
0x6a: {  	s5 =	sshra.s32 @!p1 s30, $0x2;
	s11 =	simm.s32 @!p1 $0x6400;
	[sflag:s20] =	ssyncset.done $0x0  }
0x6b: {  	s12 =	simm.s32 @!p1 $0x80;
	s30 =	sadd.s32 @!p1 $0x200, s5;
	[sflag:s20] =	ssyncadd.s32 $0xFFFFE000  }
0x6c: {  	[tilespmem:s11], [sflag:$0x1] =	stream.indirect.gather @!p1 [hbm4b:s3+s12], $0x40, s30, s12, $0xb8;
	[tilespmem:$0xE400] =	vst v63  }
0x6d: {  	s5 =	sadd.s32 @!p1 $0x280, s5;
	s30 =	smov.u32 s4;
	_ =	swait.ge [sflag:s21], $0x2000  }
0x6e: {  	[sflag:s21] =	ssyncset.done $0x0  }
0x6f: {  	[sflag:s21] =	ssyncadd.s32 $0xFFFFE000  }
0x70: {  	[hbm4b:s29+s17] =	stream.strided.scatter [tilespmem:s15], [sflag:$0x7], $0x2000, s13, s17, $0x38;
	[tilespmem:$0xE400] =	vst v63  }
0x71: {  	_ =	swait.ge [sflag:s22], $0x2000  }
.Ltmp1:
0x72: {  	[sflag:s22] =	ssyncset.done $0x0;
	(pc) =	sbr.rel @p0 .LBB2_4-.Ltmp1, $4  }
0x73: {  	s4 =	simm.s32 @!p1 $0x8400;
	s29 =	sadd.s32 $0x40, s29;
	[sflag:s22] =	ssyncadd.s32 $0xFFFFE000  }
0x74: {  	[tilespmem:s4], [sflag:$0x2] =	stream.indirect.gather @!p1 [hbm4b:s3+s12], $0x40, s5, s12, $0xb8;
	[tilespmem:$0xE400] =	vst v63  }
0x75: {  	s28 =	sadd.s32 $0x40, s28;
	s0 =	sadd.s32 $0x40, s0;
	_ =	swait.ge [sflag:s23], $0x2000  }
0x76: {  	s31 =	sadd.s32 $0x40, s31;
	p1 =	seq.s32 s30, $0x0;
	[sflag:s23] =	ssyncset.done $0x0  }
0x77: {  	s1 =	simm.s32 @!p1 $0x7;
	[sflag:s23] =	ssyncadd.s32 $0xFFFFE000  }
0x78: {  	[hbm4b:s8+s17] =	stream.strided.scatter [tilespmem:s18], [sflag:$0x8], $0x2000, s13, s17, $0x38;
	[tilespmem:$0xE400] =	vst v63  }
0x79: {  	_ =	swait.ge @!p1 [sflag:s1], $0x2000  }
0x7a: {  	s4 =	sshra.s32 s30, $0x2;
	[sflag:s1] =	ssyncset.done @!p1 $0x0  }
0x7b: {  	s11 =	sadd.s32 $0x100, s4;
	[sflag:s1] =	ssyncadd.s32 @!p1 $0xFFFFE000  }
0x7c: {  	[tilespmem:s15], [sflag:$0x3] =	stream.indirect.gather [hbm4b:s3+s10], $0x40, s11, s10, $0xb8;
	[tilespmem:$0xE400] =	vst v63  }
0x7d: {  	_ =	swait.ge [sflag:s16], $0x2000  }
0x7e: {  	[sflag:s16] =	ssyncset.done $0x0  }
0x7f: {  	s1 =	simm.s32 @!p1 $0x8;
	[sflag:s16] =	ssyncadd.s32 $0xFFFFE000  }
0x80: {  	[hbm4b:s0+s17] =	stream.strided.scatter [tilespmem:s13], [sflag:$0x5], $0x2000, s13, s17, $0x38;
	[tilespmem:$0xE400] =	vst v63  }
0x81: {  	_ =	swait.ge @!p1 [sflag:s1], $0x2000  }
0x82: {  	[sflag:s1] =	ssyncset.done @!p1 $0x0  }
0x83: {  	s12 =	sadd.s32 $0x180, s4;
	[sflag:s1] =	ssyncadd.s32 @!p1 $0xFFFFE000  }
0x84: {  	[tilespmem:s18], [sflag:$0x4] =	stream.indirect.gather [hbm4b:s3+s10], $0x40, s12, s10, $0xb8;
	[tilespmem:$0xE400] =	vst v63  }
0x85: {  	_ =	swait.ge [sflag:s19], $0x2000  }
0x86: {  	[sflag:s19] =	ssyncset.done $0x0  }
0x87: {  	[sflag:s19] =	ssyncadd.s32 $0xFFFFE000  }
0x88: {  	[hbm4b:s31+s17] =	stream.strided.scatter [tilespmem:s14], [sflag:$0x6], $0x2000, s13, s17, $0x38;
	[tilespmem:$0xE400] =	vst v63  }
0x89: {  	p0 =	seq.s32 s30, $0x18800;
	_ =	swait.ge [sflag:s20], $0x2000  }
0x8a: {  	s5 =	simm.s32 @!p0 $0x80;
	s0 =	sshra.s32 @!p0 s30, $0x2;
	[sflag:s20] =	ssyncset.done $0x0  }
0x8b: {  	s4 =	sadd.s32 @!p0 $0x200, s0;
	s1 =	simm.s32 @!p0 $0x6400;
	[sflag:s20] =	ssyncadd.s32 $0xFFFFE000  }
0x8c: {  	[tilespmem:s1], [sflag:$0x1] =	stream.indirect.gather @!p0 [hbm4b:s3+s5], $0x40, s4, s5, $0xb8;
	[tilespmem:$0xE400] =	vst v63  }
0x8d: {  	_ =	swait.ge [sflag:s21], $0x2000  }
0x8e: {  	[sflag:s21] =	ssyncset.done $0x0  }
0x8f: {  	[sflag:s21] =	ssyncadd.s32 $0xFFFFE000  }
0x90: {  	[hbm4b:s29+s17] =	stream.strided.scatter [tilespmem:s15], [sflag:$0x7], $0x2000, s13, s17, $0x38;
	[tilespmem:$0xE400] =	vst v63  }
0x91: {  	_ =	swait.ge [sflag:s22], $0x2000  }
0x92: {  	[sflag:s22] =	ssyncset.done $0x0  }
0x93: {  	s0 =	sadd.s32 @!p0 $0x280, s0;
	s1 =	simm.s32 @!p0 $0x8400;
	[sflag:s22] =	ssyncadd.s32 $0xFFFFE000  }
0x94: {  	[tilespmem:s1], [sflag:$0x2] =	stream.indirect.gather @!p0 [hbm4b:s3+s5], $0x40, s0, s5, $0xb8;
	[tilespmem:$0xE400] =	vst v63  }
0x95: {  	_ =	swait.ge [sflag:s23], $0x2000  }
0x96: {  	[sflag:s23] =	ssyncset.done $0x0  }
0x97: {  	[sflag:s23] =	ssyncadd.s32 $0xFFFFE000  }
0x98: {  	[hbm4b:s28+s17] =	stream.strided.scatter [tilespmem:s18], [sflag:$0x8], $0x2000, s13, s17, $0x38;
	[tilespmem:$0xE400] =	vst v63  }
0x99: {  	_ =	swait.ge [sflag:s24], $0x2000  }
0x9a: {  	[sflag:s24] =	ssyncset.done $0x0  }
0x9b: {  	[sflag:s24] =	ssyncadd.s32 $0xFFFFE000  }
0x9c: {  	_ =	swait.ge [sflag:s25], $0x2000  }
0x9d: {  	s26 =	sadd.s32 $0x1, s26;
	s31 =	rddreg [dreg:$0x4]  }
0x9e: {  	p0 =	sne.s32 s26, s31  }
.Ltmp2:
0x9f: {  	_ = 	snop;
	(pc) =	sbr.rel @p0 .LBB2_1-.Ltmp2, $3  }
0xa0: {  	_ =	sdelay $0x1  }
0xa1: {  	[sflag:s25] =	ssyncset.done $0x0  }
0xa2: {  	[sflag:s25] =	ssyncadd.s32 $0xFFFFE000  }
0xa3: {  	_ =	sfence.sel $0x180000  }
0xa4: {  	[bflag:$0x0] =	sbarrier.arrive $0xFFFF  }
0xa5: {  	_ =	strace $0x90000047  }
0xa6: {  	s0 =	stileid.u32;
	[bflag:$0x2] =	sbarrier.arrive $0xFFFF  }
0xa7: {  	p0 =	sne.s32 s0, $0x0;
	s0 =	rddreg [dreg:$0x2]  }
0xa8: {  	s0 =	sadd.s32 @!p0 $0x100000, s0  }
0xa9: {  	[sflag:s0] =	ssyncadd.tile.s32 @!p0 $0x1;
	_ =	shalt  }
.Lfunc_end2:
_tile_overlayer_lowered:
.L_overlay_start_2:
0xaa: {  	(tag) =	ssettag $0x2  }
0xab: {  	s0 =	rddreg [dreg:$0x0];
	s2 =	stileid.u32  }
0xac: {  	s1 =	rddreg [dreg:$0x1];
	p0 =	sne.s32 s2, $0x0  }
0xad: {  	s3 =	rddreg [dreg:$0x2];
	[bflag:$0x3] =	sbarrier.arrive $0xFFFF;
	s2 =	simm.s32 @!p0 $0x1C09  }
0xae: {  	[timem:s3], [sflag:s2] =	dma.local @!p0 [hbm:s0], s1  }
0xaf: {  	s0 =	simm.s32 @!p0 $0x9  }
0xb0: {  	_ =	swait.ge @!p0 [sflag:s0], s1  }
0xb1: {  	s1 =	ssub.s32 @!p0 $0x0, s1;
	[sflag:s0] =	ssyncset.done @!p0 $0x0  }
0xb2: {  	[sflag:s0] =	ssyncadd.s32 @!p0 s1  }
0xb3: {  	[bflag:$0x3] =	sbarrier.arrive $0xFFFF  }
0xb4: {  	_ =	shalt  }

// kernel: sparse-core-data-format-call.cloned.1.call-start
scs
called_computation_lowered:
.L_overlay_start_0:
0x0: {  	s2 =	sld [smem:$0x3FD9]  }
0x1: {  	s3 =	sld [smem:$0x3FFE];
	_ =	sdelay $0x1  }
0x2: {  	s1 =	srdreg.scid  }
0x3: {  	s0 =	sand.u32 $0x1, s1  }
0x4: {  	s18 =	sshll.u32 s0, $0xA;
	s2 =	sadd.s32 s3, s2  }
0x5: {  	s2 =	sadd.s32 s2, s18  }
0x6: {  	[smem:$0x3FC6] =	sst s2  }
0x7: {  	_ = 	snop  }
0x8: {  	s2 =	sld [smem:$0x3FD0];
	(tm) =	ssettm $0x1  }
0x9: {  	s19 =	sld [smem:$0x3FFB];
	_ =	sdelay $0x3  }
0xa: {  	_ =	strace s19  }
0xb: {  	s3 =	sld [smem:$0x3FFC];
	_ =	sdelay $0x3  }
0xc: {  	_ =	strace s3  }
0xd: {  	s3 =	sld [smem:$0x3FFD];
	_ =	sdelay $0x3  }
0xe: {  	_ =	strace s3  }
0xf: {  	_ =	strace $0x8FFFFFFF  }
0x10: {  	s20 =	sld [smem:$0x3FDB];
	_ =	sdelay $0x1  }
0x11: {  	s4 =	simm.s32 $_scs_section_size  }
0x12: {  	s5 =	simm.s32 $_size__tile_overlayer_lowered;
	s6 =	simm.s32 $_tile_overlayer_lowered  }
0x13: {  	s23 =	simm.s32 $0x1BFF;
	s22 =	sshll.u32 s6, $0x1;
	s3 =	sadd.s32 s4, s20  }
0x14: {  	s7 =	simm.s32 $0x0;
	s21 =	sshll.u32 s5, $0x1;
	s5 =	sadd.s32 s22, s3  }
0x15: {  	[timem:s7], [sflag:s23] =	dma.local [hbm:s5], s21  }
0x16: {  	_ =	swait.ge [sflag:s23], s21  }
0x17: {  	s4 =	ssub.s32 $0x0, s21;
	[sflag:s23] =	ssyncset.done $0x0  }
0x18: {  	[sflag:s23] =	ssyncadd.s32 s4;
	_ =	sdelay $0x1  }
0x19: {  	s24 =	simm.s32 $0x1B8B  }
0x1a: {  	_ =	swait.ge [sflag:s24], $0x1  }
0x1b: {  	[sflag:s24] =	ssyncset.done $0x0  }
0x1c: {  	s26 =	simm.s32 $0x1B8E;
	s25 =	sld [smem:$0x3FFE];
	[sflag:s24] =	ssyncadd.s32 $0xFFFFFFFF  }
0x1d: {  	s27 =	simm.s32 $execute0_lowered;
	[smem:$0x3FD2] =	sst s26  }
0x1e: {  	s5 =	sshll.u32 s27, $0x1;
	_ =	strace $0x80000049;
	[dreg:$0x1] =	wrdreg $0xFFFFFFFF  }
0x1f: {  	s28 =	simm.s32 $_size_execute0_lowered;
	s3 =	sadd.s32 s3, s5;
	[dreg:$0x0] =	wrdreg $0x0  }
0x20: {  	s5 =	sshll.u32 s28, $0x1;
	[dreg:$0x2] =	wrdreg s3  }
0x21: {  	[dreg:$0x3] =	wrdreg s5  }
0x22: {  	[dreg:$0x4] =	wrdreg $0xC0  }
0x23: {  	_ =	task [dreg:s7], $0x5FFFF  }
0x24: {  	[dreg:$0x1] =	wrdreg $0xFFFFFFFF  }
0x25: {  	[dreg:$0x0] =	wrdreg $0x60  }
0x26: {  	[dreg:$0x2] =	wrdreg s25  }
0x27: {  	[dreg:$0x3] =	wrdreg s2  }
0x28: {  	[dreg:$0x4] =	wrdreg $0x9  }
0x29: {  	_ =	task.clear_ibuf [dreg:s7], $0x5FFFF;
	_ =	strace $0x90000049  }
0x2a: {  	s29 =	simm.s32 $0x9;
	_ =	strace $0x8000004B  }
0x2b: {  	_ =	swait.ge [sflag:s29], $0x1  }
0x2c: {  	[sflag:s29] =	ssyncadd.s32 $0xFFFFFFFF  }
0x2d: {  	_ =	strace $0x9000004B  }
0x2e: {  	_ =	sfence  }
0x2f: {  	s30 =	sld [smem:$0x0];
	_ =	sdelay $0x2  }
0x30: {  	s31 =	sshll.u32 s1, $0xD;
	s1 =	sshrl.u32 s1, $0x2  }
0x31: {  	s3 =	sand.u32 $0x4000, s31;
	s1 =	sadd.s32 s1, s30  }
0x32: {  	s0 =	sor.u32 s3, s0;
	s1 =	sshll.u32 s1, $0x11  }
0x33: {  	s0 =	sor.u32 s1, s0  }
0x34: {  	s0 =	sadd.s32 $0x8F2B, s0  }
0x35: {  	[sflag:s0] =	ssyncadd.remote.s32 $0x1  }
0x36: {  	_ =	sfence.sel $0xFFFF  }
0x37: {  	[dreg:$0x0] =	wrdreg $0xFFFFFFFF;
	(pc) =	sbr.abs _section_cstart, $3  }
0x38: {  	[dreg:$0x1] =	wrdreg $0xFFFFFFFF  }
0x39: {  	_ =	task.clear_ibuf [dreg:s7], $0x2FFFF;
	_ =	strace $0x9FFFFFFF  }
0x3a: {  	(tm) =	ssettm $0x7FFFFFFF  }
0x3b: {  	_ =	shalt  }
tec
execute0_lowered:
.L_overlay_start_1:
0x0: {  	(tag) =	ssettag $0x1  }
0x1: {  	s0 =	srdreg.scid  }
0x2: {  	s1 =	sshll.u32 s0, $0x4  }
0x3: {  	s0 =	stileid.u32;
	s1 =	sand.u32 $0x10, s1  }
0x4: {  	s1 =	sor.u32 s0, s1  }
0x5: {  	s6 =	rddreg [dreg:$0x0];
	s4 =	simm.s32 $0x1;
	s2 =	sshll.u32 s1, $0x7  }
0x6: {  	s7 =	simm.s32 $0x2;
	s12 =	simm.s32 $0x0;
	s1 =	ssub.s32 $0x1000, s2  }
0x7: {  	s8 =	simm.s32 $0x8000;
	s13 =	simm.s32 $0x0;
	s3 =	sand.u32 $0xF80, s1  }
0x8: {  	s9 =	simm.s32 $0x0;
	s5 =	sshrl.u32 s1, $0xC;
	p0 =	sne.s32 s3, $0x0  }
.Ltmp0:
0x9: {  	s1 =	rddreg [dreg:$0x2];
	s4 =	simm.s32 @!p0 $0x0;
	(pc) =	sbr.rel .LBB1_1-.Ltmp0, $4  }
0xa: {  	s11 =	simm.s32 $0x0;
	s3 =	rddreg [dreg:$0x1];
	s5 =	sadd.s32 s4, s5  }
0xb: {  	_ =	strace $0x8000004A;
	s4 =	simm.s32 $0x1;
	s5 =	smul.u32 $0xC8, s5  }
0xc: {  	s6 =	sadd.s32 $0x7C0800, s6;
	s10 =	smov.u32 s2;
	[sflag:s4] =	ssyncpa.u1 $0x0  }
0xd: {  	p0 =	por $0x0, $0x0;
	[sflag:s7] =	ssyncpa.u1 $0x0;
	s7 =	sor.u32 $0x1, s5  }
.LBB1_4:
0xe: {  	s16 =	sshll.u32 s13, $0x3;
	s17 =	sand.u32 $0x78, s13  }
0xf: {  	s30 =	sand.u32 $0x7E00, s13;
	s12 =	sshll.u32 s12, $0xF;
	s16 =	sand.u32 $0xC00, s16  }
0x10: {  	[tilespmem:s15+$0x810 ss:$0x81] =	vst.msk $0xffff, v2;
	s31 =	sand.u32 $0x7, s13;
	s16 =	sor.u32 s17, s16;
	s17 =	sadd.s32 s3, s30  }
0x11: {  	[tilespmem:s15+$0x1020 ss:$0x81] =	vst.msk $0xffff, v0;
	s13 =	sshll.u32 s31, $0x12;
	s12 =	sadd.s32 s12, s17;
	s16 =	sshrl.u32 s16, $0x3  }
0x12: {  	[tilespmem:s15+$0x0 ss:$0x81] =	vst.msk $0xffff, v1;
	s13 =	sor.u32 $0x400, s13;
	s12 =	sadd.s32 s16, s12  }
0x13: {  	[hbm4b:s12+s13] =	stream.strided.scatter [tilespmem:s14], [sflag:$0x2], $0x2000, s8, s13, $0x20;
	[tilespmem:$0x8080] =	vst v63  }
.LBB1_5:
0x14: {  	s14 =	sadd.s32 $0x1, s9  }
0x15: {  	s12 =	sadd.s32 $0x1000, s10;
	s16 =	smov.u32 s10;
	p2 =	sgt.s32 s14, $0xC7  }
0x16: {  	s16 =	smov.u32 @p2 s12  }
0x17: {  	s14 =	simm.s32 @p2 $0x0;
	p2 =	sgt.s32 s16, $0xFFF  }
0x18: {  	s16 =	smov.u32 @p2 s2;
	p2 =	sne.s32 s11, s7  }
.Ltmp1:
0x19: {  	p1 =	slt.u32 s11, $0x2;
	(pc) =	sbr.rel @!p2 .LBB1_6-.Ltmp1, $4  }
0x1a: {  	s15 =	simm.s32 @!p1 $0x2  }
0x1b: {  	s13 =	smov.u32 s10;
	p0 =	por !p0, !p0;
	_ =	swait.ge @!p1 [sflag:s15], $0x2000  }
0x1c: {  	s12 =	smov.u32 s9;
	[sflag:s15] =	ssyncset.done @!p1 $0x0;
	s9 =	smov.u32 s14  }
0x1d: {  	s11 =	sadd.s32 $0x1, s11;
	[sflag:s15] =	ssyncadd.s32 @!p1 $0xFFFFE000;
	s10 =	smov.u32 s16  }
.LBB1_1:
0x1e: {  	p1 =	sge.u32 s11, s5  }
0x1f: {  	s14 =	sand.u32 @!p1 $0x1FFFFFF, s9  }
0x20: {  	s15 =	smulhi.u32 @!p1 $0x147AE15, s14;
	_ =	sdelay $0x1  }
0x21: {  	s15 =	smul.u32 @!p1 $0xC8, s15  }
0x22: {  	s16 =	sxor.u32 @!p1 $0xFFFFFFFF, s11;
	s17 =	smul.u32 @!p1 $0xC80, s10  }
0x23: {  	s31 =	sadd.s32 $0xFFFFFFFF, s11;
	s16 =	sshll.u32 @!p1 s16, $0xD;
	s14 =	ssub.s32 @!p1 s14, s15  }
0x24: {  	s15 =	sand.u32 @!p1 $0x2000, s16;
	s16 =	sadd.s32 @!p1 s6, s17;
	s14 =	sshll.u32 @!p1 s14, $0x4  }
0x25: {  	s17 =	simm.s32 @!p1 $0x6400;
	s14 =	sadd.s32 @!p1 s14, s16;
	s16 =	simm.s32 @!p1 $0x40  }
0x26: {  	[tilespmem:s15], [sflag:$0x1] =	stream.strided.gather @!p1 [hbm4b:s14+s16], $0x2000, s17, s16, $0x38;
	[tilespmem:$0x8080] =	vst v63  }
0x27: {  	p1 =	sge.u32 s31, s5  }
.Ltmp2:
0x28: {  	_ = 	snop;
	(pc) =	sbr.rel @p1 .LBB1_5-.Ltmp2, $1  }
0x29: {  	_ =	sdelay $0x3  }
0x2a: {  	s14 =	simm.s32 $0x1  }
0x2b: {  	_ =	swait.ge [sflag:s4], $0x2000;
	s14 =	simm.s32 @!p0 $0x0  }
0x2c: {  	[sflag:s4] =	ssyncset.done $0x0;
	s15 =	sshll.u32 s14, $0xD  }
0x2d: {  	[sflag:s4] =	ssyncadd.s32 $0xFFFFE000;
	s18 =	sor.u32 $0x20, s15  }
0x2e: {  	s14 =	smul.u32 $0x8100, s14;
	v3 =	vld [tilespmem:s18+$0x10]  }
0x2f: {  	s30 =	sand.u32 $0x1, s11;
	v2 =	vld [tilespmem:s18+$0xFFFFFFF0]  }
0x30: {  	s15 =	smul.u32 $0x8100, s30;
	s14 =	sshrl.u32 s14, $0x2;
	v0 =	vld [tilespmem:s18+$0x0]  }
0x31: {  	v1 =	vld [tilespmem:s18+$0xFFFFFFE0];
	s16 =	sor.u32 $0x4000, s14  }
0x32: {  	s31 =	sshrl.u32 s15, $0x2;
	s15 =	sadd.s32 $0x0, s16  }
0x33: {  	s17 =	simm.s32 $0x4;
	s18 =	sadd.s32 $0x40, s18;
	s14 =	sor.u32 $0x4000, s31;
	[tilespmem:s15+$0x1830 ss:$0x81] =	vst.msk $0xffff, v3  }
.LBB1_3:
0x34: {  	v3 =	vld [tilespmem:s18+$0x10];
	p1 =	sne.s32 s17, $0x1FC;
	[tilespmem:s15+$0x810 ss:$0x81] =	vst.msk $0xffff, v2;
	s19 =	smov.u32 s17;
	s17 =	sadd.s32 $0x4, s17  }
.Ltmp3:
0x35: {  	v2 =	vld [tilespmem:s18+$0xFFFFFFF0];
	[tilespmem:s15+$0x1020 ss:$0x81] =	vst.msk $0xffff, v0;
	(pc) =	sbr.rel @p1 .LBB1_3-.Ltmp3, $4  }
0x36: {  	v0 =	vld [tilespmem:s18+$0x0];
	[tilespmem:s15+$0x0 ss:$0x81] =	vst.msk $0xffff, v1  }
0x37: {  	s15 =	sshra.s32 s19, $0x2;
	v1 =	vld [tilespmem:s18+$0xFFFFFFE0]  }
0x38: {  	s15 =	sadd.s32 s15, s16  }
0x39: {  	s18 =	sadd.s32 $0x40, s18;
	[tilespmem:s15+$0x1830 ss:$0x81] =	vst.msk $0xffff, v3  }
.Ltmp4:
0x3a: {  	_ = 	snop;
	(pc) =	sbr.rel .LBB1_4-.Ltmp4, $1  }
0x3b: {  	_ =	sdelay $0x3  }
.LBB1_6:
0x3c: {  	_ =	sfence.sel $0x180000  }
0x3d: {  	s2 =	simm.s32 $0x1;
	[bflag:$0x0] =	sbarrier.arrive $0xFFFF  }
0x3e: {  	s31 =	simm.s32 $0x2;
	[sflag:s2] =	ssyncpa.u1 $0x1  }
0x3f: {  	[sflag:s31] =	ssyncpa.u1 $0x1  }
0x40: {  	p0 =	sne.s32 s0, $0x0;
	_ =	strace $0x9000004A  }
0x41: {  	s0 =	sadd.s32 @!p0 $0x100000, s1;
	[bflag:$0x2] =	sbarrier.arrive $0xFFFF  }
0x42: {  	[sflag:s0] =	ssyncadd.tile.s32 @!p0 $0x1;
	_ =	shalt  }
.Lfunc_end1:
_tile_overlayer_lowered:
.L_overlay_start_2:
0x43: {  	(tag) =	ssettag $0x2  }
0x44: {  	s0 =	rddreg [dreg:$0x0];
	s2 =	stileid.u32  }
0x45: {  	s1 =	rddreg [dreg:$0x1];
	p0 =	sne.s32 s2, $0x0  }
0x46: {  	s3 =	rddreg [dreg:$0x2];
	[bflag:$0x3] =	sbarrier.arrive $0xFFFF;
	s2 =	simm.s32 @!p0 $0x1C01  }
0x47: {  	[timem:s3], [sflag:s2] =	dma.local @!p0 [hbm:s0], s1  }
0x48: {  	s0 =	simm.s32 @!p0 $0x1  }
0x49: {  	_ =	swait.ge @!p0 [sflag:s0], s1  }
0x4a: {  	s1 =	ssub.s32 @!p0 $0x0, s1;
	[sflag:s0] =	ssyncset.done @!p0 $0x0  }
0x4b: {  	[sflag:s0] =	ssyncadd.s32 @!p0 s1  }
0x4c: {  	[bflag:$0x3] =	sbarrier.arrive $0xFFFF  }
0x4d: {  	_ =	shalt  }

</sc_bundles>
